<compile_context>
chip_gen: v7x
topology: tpu7x:2x2x1
jax: 0.10.2.dev20260603
libtpu: 0.0.44.dev20260713+nightly
codegen_flags: <defaults>
</compile_context>

<pallas_src>
import functools
import math

import jax
import jax.numpy as jnp
from jax import lax
from jax.experimental import pallas as pl
from jax.experimental.pallas import tpu as pltpu
from jax.experimental.pallas import tpu_sc as plsc

D_MODEL = 64
DPAD = 128
SCALE = math.sqrt(D_MODEL)

NC = 2
NS = 16
NW = NC * NS
G = 128
STEPS = 200
NBUF = 2

_mesh = plsc.VectorSubcoreMesh(core_axis_name="c", subcore_axis_name="s")


@functools.partial(
    pl.kernel,
    mesh=_mesh,
    out_type=jax.ShapeDtypeStruct((4096, STEPS, D_MODEL), jnp.float32),
    scratch_types=[
        pltpu.VMEM((STEPS, G), jnp.int32),
        pltpu.VMEM((NBUF, G, DPAD), jnp.float32),
        pltpu.VMEM((NBUF, G, D_MODEL), jnp.float32),
        pltpu.SemaphoreType.DMA((NBUF,)),
        pltpu.SemaphoreType.DMA((NBUF,)),
    ],
)
def _emb_lookup(table_hbm, idx_hbm, out_hbm, idx_v, inb, outb, gsem, ssem):
    wid = lax.axis_index("s") * NC + lax.axis_index("c")
    bbase = wid * G
    pltpu.sync_copy(idx_hbm.at[:, pl.ds(bbase, G)], idx_v)

    for b in range(NBUF):
        pltpu.make_async_copy(
            table_hbm.at[idx_v.at[b]], inb.at[b], gsem.at[b]
        ).start()

    def group(g, carry):
        for b in range(NBUF):
            i = g * NBUF + b
            pltpu.make_async_copy(
                table_hbm.at[idx_v.at[i]], inb.at[b], gsem.at[b]
            ).wait()

            @pl.when(g > 0)
            def _wait_store():
                pltpu.make_async_copy(
                    outb.at[b], out_hbm.at[pl.ds(bbase, G), 0], ssem.at[b]
                ).wait()

            def row(r, c):
                for j in range(D_MODEL // 16):
                    sl = pl.ds(j * 16, 16)
                    outb[b, r, sl] = inb[b, r, sl] * SCALE
                return c

            lax.fori_loop(0, G, row, 0, unroll=4)

            pltpu.make_async_copy(
                outb.at[b], out_hbm.at[pl.ds(bbase, G), i], ssem.at[b]
            ).start()

            @pl.when(g < STEPS // NBUF - 1)
            def _next_gather():
                pltpu.make_async_copy(
                    table_hbm.at[idx_v.at[i + NBUF]], inb.at[b], gsem.at[b]
                ).start()

        return carry

    lax.fori_loop(0, STEPS // NBUF, group, 0)

    for b in range(NBUF):
        pltpu.make_async_copy(
            outb.at[b], out_hbm.at[pl.ds(bbase, G), 0], ssem.at[b]
        ).wait()


def kernel(x, table):
    tpad = jnp.pad(table, ((0, 0), (0, DPAD - D_MODEL)))
    xt = jnp.transpose(x)
    out = _emb_lookup(tpad, xt)
    return out

# --- scband reference (transcript-rebuilt; emitter-appended) ---
"""Pipeline reference for scband-embedding-56908316672498 (READ-ONLY COPY).

The authoritative reference and input builder live on the scoring server;
editing this copy changes nothing except your own understanding.
"""

import jax, jax.numpy as jnp
import numpy as np
import math

VOCAB = 1000000
D_MODEL = 64

def setup_inputs(seed: int = 0) -> dict:
    key = jax.random.key(seed)
    k1, k2 = jax.random.split(key)
    x = jax.random.randint(k1, (4096, 200), 0, VOCAB, dtype=jnp.int64 if jax.config.jax_enable_x64 else jnp.int32)
    table = jax.random.normal(k2, (VOCAB, D_MODEL), dtype=jnp.float32)
    return {"x": x, "table": table}

def reference(x, table):
    # nn.Embedding lookup followed by scale by sqrt(d_model)
    emb = jnp.take(table, x, axis=0)
    return emb * math.sqrt(D_MODEL)

if __name__ == "__main__":
    import jax
    _d = setup_inputs()
    print(jax.jit(kernel)(*tuple(_d.values())))

</pallas_src>

<mosaic_0001>
#map = affine_map<(d0, d1) -> (0, 0)>
#map1 = affine_map<(d0, d1) -> (0, 0, 0)>
module attributes {stable_mosaic.version = 14 : i64} {
  func.func @_emb_lookup(%arg0: i32, %arg1: i32, %arg2: memref<1000000x128xf32, #tpu.memory_space<hbm>>, %arg3: memref<200x4096xi32, #tpu.memory_space<hbm>>, %arg4: memref<4096x200x64xf32, #tpu.memory_space<hbm>>, %arg5: memref<200x128xi32, #tpu.memory_space<vmem>>, %arg6: memref<2x128x128xf32, #tpu.memory_space<vmem>>, %arg7: memref<2x128x64xf32, #tpu.memory_space<vmem>>, %arg8: memref<2x!tpu.dma_semaphore, #tpu.memory_space<semaphore_mem>>, %arg9: memref<2x!tpu.dma_semaphore, #tpu.memory_space<semaphore_mem>>) attributes {dimension_semantics = [#tpu.dimension_semantics<core_parallel>, #tpu.dimension_semantics<subcore_parallel>], iteration_bounds = array<i64: 2, 16>, scalar_prefetch = 0 : i64, scratch_operands = 5 : i64, tpu.core_type = #tpu.core_type<sc_vector_subcore>, window_params = [{transform_indices = #map}, {transform_indices = #map}, {transform_indices = #map1}]} {
    %mul3A = arith.constant 2 : i32
    %mul3A_0 = arith.muli %arg1, %mul3A : i32
    %add3A = arith.addi %mul3A_0, %arg0 : i32
    %mul3A_1 = arith.constant 128 : i32
    %mul3A_2 = arith.muli %add3A, %mul3A_1 : i32
    "tpu.region"() ({
      %run_scoped3A = tpu.sem_alloc : memref<!tpu.dma_semaphore, #tpu.memory_space<semaphore_mem>>
      %dma_start3A_74 = arith.constant 0 : i32
      %dma_start3A_75 = tpu.memref_slice %arg3[%dma_start3A_74, %mul3A_2] : memref<200x4096xi32, #tpu.memory_space<hbm>> -> memref<200x128xi32, #tpu.memory_space<hbm>>
      %dma_start3A_76 = arith.constant 0 : i32
      %dma_start3A_77 = tpu.memref_slice %arg3[%dma_start3A_76, %mul3A_2] : memref<200x4096xi32, #tpu.memory_space<hbm>> -> memref<200x128xi32, #tpu.memory_space<hbm>>
      tpu.enqueue_dma source(%dma_start3A_77 : memref<200x128xi32, #tpu.memory_space<hbm>>) target(%arg5 : memref<200x128xi32, #tpu.memory_space<vmem>>) target_semaphore(%run_scoped3A : memref<!tpu.dma_semaphore, #tpu.memory_space<semaphore_mem>>)
      %dma_wait3A_78 = arith.constant 0 : i32
      %dma_wait3A_79 = tpu.memref_slice %arg3[%dma_wait3A_78, %mul3A_2] : memref<200x4096xi32, #tpu.memory_space<hbm>> -> memref<200x128xi32, #tpu.memory_space<hbm>>
      %dma_wait3A_80 = arith.constant 0 : i32
      %dma_wait3A_81 = tpu.memref_slice %arg3[%dma_wait3A_80, %mul3A_2] : memref<200x4096xi32, #tpu.memory_space<hbm>> -> memref<200x128xi32, #tpu.memory_space<hbm>>
      tpu.wait_dma2 semaphore(%run_scoped3A : memref<!tpu.dma_semaphore, #tpu.memory_space<semaphore_mem>>) src(%dma_wait3A_81 : memref<200x128xi32, #tpu.memory_space<hbm>>) dst(%arg5 : memref<200x128xi32, #tpu.memory_space<vmem>>)
      tpu.yield
    }) : () -> ()
    %dma_start3A = arith.constant 0 : i32
    %dma_start3A_3 = arith.constant 0 : i32
    %dma_start3A_4 = arith.constant 0 : i32
    %dma_start3A_5 = arith.constant 0 : i32
    %dma_start3A_6 = arith.constant 0 : i32
    %dma_start3A_7 = tpu.memref_slice %arg6[%dma_start3A_3, %dma_start3A_5, %dma_start3A_6] : memref<2x128x128xf32, #tpu.memory_space<vmem>> -> memref<1x128x128xf32, #tpu.memory_space<vmem>>
    %dma_start3A_8 = tpu.memref_squeeze %dma_start3A_7 : memref<1x128x128xf32, #tpu.memory_space<vmem>> -> memref<128x128xf32, #tpu.memory_space<vmem>>
    %dma_start3A_9 = arith.constant 0 : i32
    %dma_start3A_10 = tpu.memref_slice %arg5[%dma_start3A, %dma_start3A_9] : memref<200x128xi32, #tpu.memory_space<vmem>> -> memref<1x128xi32, #tpu.memory_space<vmem>>
    %dma_start3A_11 = tpu.memref_squeeze %dma_start3A_10 : memref<1x128xi32, #tpu.memory_space<vmem>> -> memref<128xi32, #tpu.memory_space<vmem>>
    %dma_start3A_12 = arith.constant 0 : i32
    %dma_start3A_13 = arith.constant 0 : i32
    %dma_start3A_14 = tpu.memref_slice %arg2[%dma_start3A_12, %dma_start3A_13] : memref<1000000x128xf32, #tpu.memory_space<hbm>> -> memref<1000000x128xf32, #tpu.memory_space<hbm>>
    %dma_start3A_15 = tpu.memref_slice %arg8[%dma_start3A_4] : memref<2x!tpu.dma_semaphore, #tpu.memory_space<semaphore_mem>> -> memref<1x!tpu.dma_semaphore, #tpu.memory_space<semaphore_mem>>
    %dma_start3A_16 = tpu.memref_squeeze %dma_start3A_15 : memref<1x!tpu.dma_semaphore, #tpu.memory_space<semaphore_mem>> -> memref<!tpu.dma_semaphore, #tpu.memory_space<semaphore_mem>>
    tpu.enqueue_indirect_dma source(%dma_start3A_14 : memref<1000000x128xf32, #tpu.memory_space<hbm>>) target(%dma_start3A_8 : memref<128x128xf32, #tpu.memory_space<vmem>>) offsets(%dma_start3A_11 : memref<128xi32, #tpu.memory_space<vmem>>) semaphore(%dma_start3A_16 : memref<!tpu.dma_semaphore, #tpu.memory_space<semaphore_mem>>)
    %dma_start3A_17 = arith.constant 1 : i32
    %dma_start3A_18 = arith.constant 1 : i32
    %dma_start3A_19 = arith.constant 1 : i32
    %dma_start3A_20 = arith.constant 0 : i32
    %dma_start3A_21 = arith.constant 0 : i32
    %dma_start3A_22 = tpu.memref_slice %arg6[%dma_start3A_18, %dma_start3A_20, %dma_start3A_21] : memref<2x128x128xf32, #tpu.memory_space<vmem>> -> memref<1x128x128xf32, #tpu.memory_space<vmem>>
    %dma_start3A_23 = tpu.memref_squeeze %dma_start3A_22 : memref<1x128x128xf32, #tpu.memory_space<vmem>> -> memref<128x128xf32, #tpu.memory_space<vmem>>
    %dma_start3A_24 = arith.constant 0 : i32
    %dma_start3A_25 = tpu.memref_slice %arg5[%dma_start3A_17, %dma_start3A_24] : memref<200x128xi32, #tpu.memory_space<vmem>> -> memref<1x128xi32, #tpu.memory_space<vmem>>
    %dma_start3A_26 = tpu.memref_squeeze %dma_start3A_25 : memref<1x128xi32, #tpu.memory_space<vmem>> -> memref<128xi32, #tpu.memory_space<vmem>>
    %dma_start3A_27 = arith.constant 0 : i32
    %dma_start3A_28 = arith.constant 0 : i32
    %dma_start3A_29 = tpu.memref_slice %arg2[%dma_start3A_27, %dma_start3A_28] : memref<1000000x128xf32, #tpu.memory_space<hbm>> -> memref<1000000x128xf32, #tpu.memory_space<hbm>>
    %dma_start3A_30 = tpu.memref_slice %arg8[%dma_start3A_19] : memref<2x!tpu.dma_semaphore, #tpu.memory_space<semaphore_mem>> -> memref<1x!tpu.dma_semaphore, #tpu.memory_space<semaphore_mem>>
    %dma_start3A_31 = tpu.memref_squeeze %dma_start3A_30 : memref<1x!tpu.dma_semaphore, #tpu.memory_space<semaphore_mem>> -> memref<!tpu.dma_semaphore, #tpu.memory_space<semaphore_mem>>
    tpu.enqueue_indirect_dma source(%dma_start3A_29 : memref<1000000x128xf32, #tpu.memory_space<hbm>>) target(%dma_start3A_23 : memref<128x128xf32, #tpu.memory_space<vmem>>) offsets(%dma_start3A_26 : memref<128xi32, #tpu.memory_space<vmem>>) semaphore(%dma_start3A_31 : memref<!tpu.dma_semaphore, #tpu.memory_space<semaphore_mem>>)
    %scan3A = arith.constant 0 : i32
    %scan3A_32 = arith.constant 0 : i32
    %scan3A_33 = arith.constant 100 : i32
    %scan3A_34 = arith.addi %scan3A_32, %scan3A_33 : i32
    %scan3A_35 = arith.constant 1 : i32
    scf.for %scan3A_74 = %scan3A_32 to %scan3A_34 step %scan3A_35  : i32 {
      %mul3A_75 = arith.constant 2 : i32
      %mul3A_76 = arith.muli %scan3A_74, %mul3A_75 : i32
      %add3A_77 = arith.constant 0 : i32
      %add3A_78 = arith.addi %mul3A_76, %add3A_77 : i32
      %dma_wait3A_79 = arith.constant 0 : i32
      %dma_wait3A_80 = arith.constant 0 : i32
      %dma_wait3A_81 = arith.constant 0 : i32
      %dma_wait3A_82 = arith.constant 0 : i32
      %dma_wait3A_83 = tpu.memref_slice %arg6[%dma_wait3A_79, %dma_wait3A_81, %dma_wait3A_82] : memref<2x128x128xf32, #tpu.memory_space<vmem>> -> memref<1x128x128xf32, #tpu.memory_space<vmem>>
      %dma_wait3A_84 = tpu.memref_squeeze %dma_wait3A_83 : memref<1x128x128xf32, #tpu.memory_space<vmem>> -> memref<128x128xf32, #tpu.memory_space<vmem>>
      %dma_wait3A_85 = arith.constant 0 : i32
      %dma_wait3A_86 = tpu.memref_slice %arg5[%add3A_78, %dma_wait3A_85] : memref<200x128xi32, #tpu.memory_space<vmem>> -> memref<1x128xi32, #tpu.memory_space<vmem>>
      %dma_wait3A_87 = tpu.memref_squeeze %dma_wait3A_86 : memref<1x128xi32, #tpu.memory_space<vmem>> -> memref<128xi32, #tpu.memory_space<vmem>>
      %dma_wait3A_88 = arith.constant 0 : i32
      %dma_wait3A_89 = arith.constant 0 : i32
      %dma_wait3A_90 = tpu.memref_slice %arg2[%dma_wait3A_88, %dma_wait3A_89] : memref<1000000x128xf32, #tpu.memory_space<hbm>> -> memref<1000000x128xf32, #tpu.memory_space<hbm>>
      %dma_wait3A_91 = tpu.memref_slice %arg8[%dma_wait3A_80] : memref<2x!tpu.dma_semaphore, #tpu.memory_space<semaphore_mem>> -> memref<1x!tpu.dma_semaphore, #tpu.memory_space<semaphore_mem>>
      %dma_wait3A_92 = tpu.memref_squeeze %dma_wait3A_91 : memref<1x!tpu.dma_semaphore, #tpu.memory_space<semaphore_mem>> -> memref<!tpu.dma_semaphore, #tpu.memory_space<semaphore_mem>>
      tpu.wait_indirect_dma semaphore(%dma_wait3A_92 : memref<!tpu.dma_semaphore, #tpu.memory_space<semaphore_mem>>) src(%dma_wait3A_90 : memref<1000000x128xf32, #tpu.memory_space<hbm>>) dst(%dma_wait3A_84 : memref<128x128xf32, #tpu.memory_space<vmem>>)
      %gt3A = arith.constant 0 : i32
      %gt3A_93 = arith.cmpi sgt, %scan3A_74, %gt3A : i32
      %convert_element_type3A = arith.extui %gt3A_93 : i1 to i32
      %cond3A = arith.constant 0 : i32
      %cond3A_94 = arith.cmpi ne, %convert_element_type3A, %cond3A : i32
      scf.if %cond3A_94 {
        %dma_wait3A_175 = arith.constant 0 : i32
        %dma_wait3A_176 = arith.constant 0 : i32
        %dma_wait3A_177 = arith.constant 0 : i32
        %dma_wait3A_178 = arith.constant 0 : i32
        %dma_wait3A_179 = arith.constant 0 : i32
        %dma_wait3A_180 = tpu.memref_slice %arg7[%dma_wait3A_175, %dma_wait3A_178, %dma_wait3A_179] : memref<2x128x64xf32, #tpu.memory_space<vmem>> -> memref<1x128x64xf32, #tpu.memory_space<vmem>>
        %dma_wait3A_181 = tpu.memref_squeeze %dma_wait3A_180 : memref<1x128x64xf32, #tpu.memory_space<vmem>> -> memref<128x64xf32, #tpu.memory_space<vmem>>
        %dma_wait3A_182 = arith.constant 0 : i32
        %dma_wait3A_183 = tpu.memref_slice %arg4[%mul3A_2, %dma_wait3A_176, %dma_wait3A_182] : memref<4096x200x64xf32, #tpu.memory_space<hbm>> -> memref<128x1x64xf32, #tpu.memory_space<hbm>>
        %dma_wait3A_184 = tpu.memref_squeeze %dma_wait3A_183 : memref<128x1x64xf32, #tpu.memory_space<hbm>> -> memref<128x64xf32, #tpu.memory_space<hbm>>
        %dma_wait3A_185 = tpu.memref_slice %arg9[%dma_wait3A_177] : memref<2x!tpu.dma_semaphore, #tpu.memory_space<semaphore_mem>> -> memref<1x!tpu.dma_semaphore, #tpu.memory_space<semaphore_mem>>
        %dma_wait3A_186 = tpu.memref_squeeze %dma_wait3A_185 : memref<1x!tpu.dma_semaphore, #tpu.memory_space<semaphore_mem>> -> memref<!tpu.dma_semaphore, #tpu.memory_space<semaphore_mem>>
        %dma_wait3A_187 = arith.constant 0 : i32
        %dma_wait3A_188 = tpu.memref_slice %arg4[%mul3A_2, %dma_wait3A_176, %dma_wait3A_187] : memref<4096x200x64xf32, #tpu.memory_space<hbm>> -> memref<128x1x64xf32, #tpu.memory_space<hbm>>
        %dma_wait3A_189 = tpu.memref_squeeze %dma_wait3A_188 : memref<128x1x64xf32, #tpu.memory_space<hbm>> -> memref<128x64xf32, #tpu.memory_space<hbm>>
        %dma_wait3A_190 = arith.constant 0 : i32
        %dma_wait3A_191 = arith.constant 0 : i32
        %dma_wait3A_192 = tpu.memref_slice %arg7[%dma_wait3A_175, %dma_wait3A_190, %dma_wait3A_191] : memref<2x128x64xf32, #tpu.memory_space<vmem>> -> memref<1x128x64xf32, #tpu.memory_space<vmem>>
        %dma_wait3A_193 = tpu.memref_squeeze %dma_wait3A_192 : memref<1x128x64xf32, #tpu.memory_space<vmem>> -> memref<128x64xf32, #tpu.memory_space<vmem>>
        tpu.wait_dma2 semaphore(%dma_wait3A_186 : memref<!tpu.dma_semaphore, #tpu.memory_space<semaphore_mem>>) src(%dma_wait3A_193 : memref<128x64xf32, #tpu.memory_space<vmem>>) dst(%dma_wait3A_189 : memref<128x64xf32, #tpu.memory_space<hbm>>)
      } else {
      }
      %scan3A_95 = arith.constant 0 : i32
      %scan3A_96 = arith.constant 0 : i32
      %scan3A_97 = arith.constant 128 : i32
      %scan3A_98 = arith.addi %scan3A_96, %scan3A_97 : i32
      %scan3A_99 = arith.constant 4 : i32
      scf.for %scan3A_175 = %scan3A_96 to %scan3A_98 step %scan3A_99  : i32 {
        %get3A = arith.constant 0 : i32
        %get3A_176 = arith.index_cast %get3A : i32 to index
        %get3A_177 = arith.index_cast %scan3A_175 : i32 to index
        %get3A_178 = arith.constant 0 : index
        %get3A_179 = tpu.vector_load %arg6[%get3A_176, %get3A_177, %get3A_178] {strides = array<i32>} : memref<2x128x128xf32, #tpu.memory_space<vmem>>, vector<1x1x16xf32>,
        %get3A_180 = vector.shape_cast %get3A_179 : vector<1x1x16xf32> to vector<16xf32>
        %mul3A_181 = arith.constant 8.000000e+00 : f32
        %mul3A_182 = vector.broadcast %mul3A_181 : f32 to vector<16xf32>
        %mul3A_183 = arith.mulf %get3A_180, %mul3A_182 : vector<16xf32>
        %swap3A = arith.constant 0 : i32
        %swap3A_184 = arith.index_cast %swap3A : i32 to index
        %swap3A_185 = arith.index_cast %scan3A_175 : i32 to index
        %swap3A_186 = arith.constant 0 : index
        %swap3A_187 = tpu.vector_load %arg7[%swap3A_184, %swap3A_185, %swap3A_186] {strides = array<i32>} : memref<2x128x64xf32, #tpu.memory_space<vmem>>, vector<1x1x16xf32>,
        %swap3A_188 = vector.shape_cast %swap3A_187 : vector<1x1x16xf32> to vector<16xf32>
        %swap3A_189 = vector.shape_cast %mul3A_183 : vector<16xf32> to vector<1x1x16xf32>
        tpu.vector_store %arg7[%swap3A_184, %swap3A_185, %swap3A_186], %swap3A_189 {strides = array<i32>} : memref<2x128x64xf32, #tpu.memory_space<vmem>>, vector<1x1x16xf32>,
        %get3A_190 = arith.constant 0 : i32
        %get3A_191 = arith.index_cast %get3A_190 : i32 to index
        %get3A_192 = arith.index_cast %scan3A_175 : i32 to index
        %get3A_193 = arith.constant 16 : index
        %get3A_194 = tpu.vector_load %arg6[%get3A_191, %get3A_192, %get3A_193] {strides = array<i32>} : memref<2x128x128xf32, #tpu.memory_space<vmem>>, vector<1x1x16xf32>,
        %get3A_195 = vector.shape_cast %get3A_194 : vector<1x1x16xf32> to vector<16xf32>
        %mul3A_196 = arith.constant 8.000000e+00 : f32
        %mul3A_197 = vector.broadcast %mul3A_196 : f32 to vector<16xf32>
        %mul3A_198 = arith.mulf %get3A_195, %mul3A_197 : vector<16xf32>
        %swap3A_199 = arith.constant 0 : i32
        %swap3A_200 = arith.index_cast %swap3A_199 : i32 to index
        %swap3A_201 = arith.index_cast %scan3A_175 : i32 to index
        %swap3A_202 = arith.constant 16 : index
        %swap3A_203 = tpu.vector_load %arg7[%swap3A_200, %swap3A_201, %swap3A_202] {strides = array<i32>} : memref<2x128x64xf32, #tpu.memory_space<vmem>>, vector<1x1x16xf32>,
        %swap3A_204 = vector.shape_cast %swap3A_203 : vector<1x1x16xf32> to vector<16xf32>
        %swap3A_205 = vector.shape_cast %mul3A_198 : vector<16xf32> to vector<1x1x16xf32>
        tpu.vector_store %arg7[%swap3A_200, %swap3A_201, %swap3A_202], %swap3A_205 {strides = array<i32>} : memref<2x128x64xf32, #tpu.memory_space<vmem>>, vector<1x1x16xf32>,
        %get3A_206 = arith.constant 0 : i32
        %get3A_207 = arith.index_cast %get3A_206 : i32 to index
        %get3A_208 = arith.index_cast %scan3A_175 : i32 to index
        %get3A_209 = arith.constant 32 : index
        %get3A_210 = tpu.vector_load %arg6[%get3A_207, %get3A_208, %get3A_209] {strides = array<i32>} : memref<2x128x128xf32, #tpu.memory_space<vmem>>, vector<1x1x16xf32>,
        %get3A_211 = vector.shape_cast %get3A_210 : vector<1x1x16xf32> to vector<16xf32>
        %mul3A_212 = arith.constant 8.000000e+00 : f32
        %mul3A_213 = vector.broadcast %mul3A_212 : f32 to vector<16xf32>
        %mul3A_214 = arith.mulf %get3A_211, %mul3A_213 : vector<16xf32>
        %swap3A_215 = arith.constant 0 : i32
        %swap3A_216 = arith.index_cast %swap3A_215 : i32 to index
        %swap3A_217 = arith.index_cast %scan3A_175 : i32 to index
        %swap3A_218 = arith.constant 32 : index
        %swap3A_219 = tpu.vector_load %arg7[%swap3A_216, %swap3A_217, %swap3A_218] {strides = array<i32>} : memref<2x128x64xf32, #tpu.memory_space<vmem>>, vector<1x1x16xf32>,
        %swap3A_220 = vector.shape_cast %swap3A_219 : vector<1x1x16xf32> to vector<16xf32>
        %swap3A_221 = vector.shape_cast %mul3A_214 : vector<16xf32> to vector<1x1x16xf32>
        tpu.vector_store %arg7[%swap3A_216, %swap3A_217, %swap3A_218], %swap3A_221 {strides = array<i32>} : memref<2x128x64xf32, #tpu.memory_space<vmem>>, vector<1x1x16xf32>,
        %get3A_222 = arith.constant 0 : i32
        %get3A_223 = arith.index_cast %get3A_222 : i32 to index
        %get3A_224 = arith.index_cast %scan3A_175 : i32 to index
        %get3A_225 = arith.constant 48 : index
        %get3A_226 = tpu.vector_load %arg6[%get3A_223, %get3A_224, %get3A_225] {strides = array<i32>} : memref<2x128x128xf32, #tpu.memory_space<vmem>>, vector<1x1x16xf32>,
        %get3A_227 = vector.shape_cast %get3A_226 : vector<1x1x16xf32> to vector<16xf32>
        %mul3A_228 = arith.constant 8.000000e+00 : f32
        %mul3A_229 = vector.broadcast %mul3A_228 : f32 to vector<16xf32>
        %mul3A_230 = arith.mulf %get3A_227, %mul3A_229 : vector<16xf32>
        %swap3A_231 = arith.constant 0 : i32
        %swap3A_232 = arith.index_cast %swap3A_231 : i32 to index
        %swap3A_233 = arith.index_cast %scan3A_175 : i32 to index
        %swap3A_234 = arith.constant 48 : index
        %swap3A_235 = tpu.vector_load %arg7[%swap3A_232, %swap3A_233, %swap3A_234] {strides = array<i32>} : memref<2x128x64xf32, #tpu.memory_space<vmem>>, vector<1x1x16xf32>,
        %swap3A_236 = vector.shape_cast %swap3A_235 : vector<1x1x16xf32> to vector<16xf32>
        %swap3A_237 = vector.shape_cast %mul3A_230 : vector<16xf32> to vector<1x1x16xf32>
        tpu.vector_store %arg7[%swap3A_232, %swap3A_233, %swap3A_234], %swap3A_237 {strides = array<i32>} : memref<2x128x64xf32, #tpu.memory_space<vmem>>, vector<1x1x16xf32>,
        %scan3A_238 = arith.constant 1 : i32
        %scan3A_239 = arith.addi %scan3A_175, %scan3A_238 : i32
        %get3A_240 = arith.constant 0 : i32
        %get3A_241 = arith.index_cast %get3A_240 : i32 to index
        %get3A_242 = arith.index_cast %scan3A_239 : i32 to index
        %get3A_243 = arith.constant 0 : index
        %get3A_244 = tpu.vector_load %arg6[%get3A_241, %get3A_242, %get3A_243] {strides = array<i32>} : memref<2x128x128xf32, #tpu.memory_space<vmem>>, vector<1x1x16xf32>,
        %get3A_245 = vector.shape_cast %get3A_244 : vector<1x1x16xf32> to vector<16xf32>
        %mul3A_246 = arith.constant 8.000000e+00 : f32
        %mul3A_247 = vector.broadcast %mul3A_246 : f32 to vector<16xf32>
        %mul3A_248 = arith.mulf %get3A_245, %mul3A_247 : vector<16xf32>
        %swap3A_249 = arith.constant 0 : i32
        %swap3A_250 = arith.index_cast %swap3A_249 : i32 to index
        %swap3A_251 = arith.index_cast %scan3A_239 : i32 to index
        %swap3A_252 = arith.constant 0 : index
        %swap3A_253 = tpu.vector_load %arg7[%swap3A_250, %swap3A_251, %swap3A_252] {strides = array<i32>} : memref<2x128x64xf32, #tpu.memory_space<vmem>>, vector<1x1x16xf32>,
        %swap3A_254 = vector.shape_cast %swap3A_253 : vector<1x1x16xf32> to vector<16xf32>
        %swap3A_255 = vector.shape_cast %mul3A_248 : vector<16xf32> to vector<1x1x16xf32>
        tpu.vector_store %arg7[%swap3A_250, %swap3A_251, %swap3A_252], %swap3A_255 {strides = array<i32>} : memref<2x128x64xf32, #tpu.memory_space<vmem>>, vector<1x1x16xf32>,
        %get3A_256 = arith.constant 0 : i32
        %get3A_257 = arith.index_cast %get3A_256 : i32 to index
        %get3A_258 = arith.index_cast %scan3A_239 : i32 to index
        %get3A_259 = arith.constant 16 : index
        %get3A_260 = tpu.vector_load %arg6[%get3A_257, %get3A_258, %get3A_259] {strides = array<i32>} : memref<2x128x128xf32, #tpu.memory_space<vmem>>, vector<1x1x16xf32>,
        %get3A_261 = vector.shape_cast %get3A_260 : vector<1x1x16xf32> to vector<16xf32>
        %mul3A_262 = arith.constant 8.000000e+00 : f32
        %mul3A_263 = vector.broadcast %mul3A_262 : f32 to vector<16xf32>
        %mul3A_264 = arith.mulf %get3A_261, %mul3A_263 : vector<16xf32>
        %swap3A_265 = arith.constant 0 : i32
        %swap3A_266 = arith.index_cast %swap3A_265 : i32 to index
        %swap3A_267 = arith.index_cast %scan3A_239 : i32 to index
        %swap3A_268 = arith.constant 16 : index
        %swap3A_269 = tpu.vector_load %arg7[%swap3A_266, %swap3A_267, %swap3A_268] {strides = array<i32>} : memref<2x128x64xf32, #tpu.memory_space<vmem>>, vector<1x1x16xf32>,
        %swap3A_270 = vector.shape_cast %swap3A_269 : vector<1x1x16xf32> to vector<16xf32>
        %swap3A_271 = vector.shape_cast %mul3A_264 : vector<16xf32> to vector<1x1x16xf32>
        tpu.vector_store %arg7[%swap3A_266, %swap3A_267, %swap3A_268], %swap3A_271 {strides = array<i32>} : memref<2x128x64xf32, #tpu.memory_space<vmem>>, vector<1x1x16xf32>,
        %get3A_272 = arith.constant 0 : i32
        %get3A_273 = arith.index_cast %get3A_272 : i32 to index
        %get3A_274 = arith.index_cast %scan3A_239 : i32 to index
        %get3A_275 = arith.constant 32 : index
        %get3A_276 = tpu.vector_load %arg6[%get3A_273, %get3A_274, %get3A_275] {strides = array<i32>} : memref<2x128x128xf32, #tpu.memory_space<vmem>>, vector<1x1x16xf32>,
        %get3A_277 = vector.shape_cast %get3A_276 : vector<1x1x16xf32> to vector<16xf32>
        %mul3A_278 = arith.constant 8.000000e+00 : f32
        %mul3A_279 = vector.broadcast %mul3A_278 : f32 to vector<16xf32>
        %mul3A_280 = arith.mulf %get3A_277, %mul3A_279 : vector<16xf32>
        %swap3A_281 = arith.constant 0 : i32
        %swap3A_282 = arith.index_cast %swap3A_281 : i32 to index
        %swap3A_283 = arith.index_cast %scan3A_239 : i32 to index
        %swap3A_284 = arith.constant 32 : index
        %swap3A_285 = tpu.vector_load %arg7[%swap3A_282, %swap3A_283, %swap3A_284] {strides = array<i32>} : memref<2x128x64xf32, #tpu.memory_space<vmem>>, vector<1x1x16xf32>,
        %swap3A_286 = vector.shape_cast %swap3A_285 : vector<1x1x16xf32> to vector<16xf32>
        %swap3A_287 = vector.shape_cast %mul3A_280 : vector<16xf32> to vector<1x1x16xf32>
        tpu.vector_store %arg7[%swap3A_282, %swap3A_283, %swap3A_284], %swap3A_287 {strides = array<i32>} : memref<2x128x64xf32, #tpu.memory_space<vmem>>, vector<1x1x16xf32>,
        %get3A_288 = arith.constant 0 : i32
        %get3A_289 = arith.index_cast %get3A_288 : i32 to index
        %get3A_290 = arith.index_cast %scan3A_239 : i32 to index
        %get3A_291 = arith.constant 48 : index
        %get3A_292 = tpu.vector_load %arg6[%get3A_289, %get3A_290, %get3A_291] {strides = array<i32>} : memref<2x128x128xf32, #tpu.memory_space<vmem>>, vector<1x1x16xf32>,
        %get3A_293 = vector.shape_cast %get3A_292 : vector<1x1x16xf32> to vector<16xf32>
        %mul3A_294 = arith.constant 8.000000e+00 : f32
        %mul3A_295 = vector.broadcast %mul3A_294 : f32 to vector<16xf32>
        %mul3A_296 = arith.mulf %get3A_293, %mul3A_295 : vector<16xf32>
        %swap3A_297 = arith.constant 0 : i32
        %swap3A_298 = arith.index_cast %swap3A_297 : i32 to index
        %swap3A_299 = arith.index_cast %scan3A_239 : i32 to index
        %swap3A_300 = arith.constant 48 : index
        %swap3A_301 = tpu.vector_load %arg7[%swap3A_298, %swap3A_299, %swap3A_300] {strides = array<i32>} : memref<2x128x64xf32, #tpu.memory_space<vmem>>, vector<1x1x16xf32>,
        %swap3A_302 = vector.shape_cast %swap3A_301 : vector<1x1x16xf32> to vector<16xf32>
        %swap3A_303 = vector.shape_cast %mul3A_296 : vector<16xf32> to vector<1x1x16xf32>
        tpu.vector_store %arg7[%swap3A_298, %swap3A_299, %swap3A_300], %swap3A_303 {strides = array<i32>} : memref<2x128x64xf32, #tpu.memory_space<vmem>>, vector<1x1x16xf32>,
        %scan3A_304 = arith.constant 2 : i32
        %scan3A_305 = arith.addi %scan3A_175, %scan3A_304 : i32
        %get3A_306 = arith.constant 0 : i32
        %get3A_307 = arith.index_cast %get3A_306 : i32 to index
        %get3A_308 = arith.index_cast %scan3A_305 : i32 to index
        %get3A_309 = arith.constant 0 : index
        %get3A_310 = tpu.vector_load %arg6[%get3A_307, %get3A_308, %get3A_309] {strides = array<i32>} : memref<2x128x128xf32, #tpu.memory_space<vmem>>, vector<1x1x16xf32>,
        %get3A_311 = vector.shape_cast %get3A_310 : vector<1x1x16xf32> to vector<16xf32>
        %mul3A_312 = arith.constant 8.000000e+00 : f32
        %mul3A_313 = vector.broadcast %mul3A_312 : f32 to vector<16xf32>
        %mul3A_314 = arith.mulf %get3A_311, %mul3A_313 : vector<16xf32>
        %swap3A_315 = arith.constant 0 : i32
        %swap3A_316 = arith.index_cast %swap3A_315 : i32 to index
        %swap3A_317 = arith.index_cast %scan3A_305 : i32 to index
        %swap3A_318 = arith.constant 0 : index
        %swap3A_319 = tpu.vector_load %arg7[%swap3A_316, %swap3A_317, %swap3A_318] {strides = array<i32>} : memref<2x128x64xf32, #tpu.memory_space<vmem>>, vector<1x1x16xf32>,
        %swap3A_320 = vector.shape_cast %swap3A_319 : vector<1x1x16xf32> to vector<16xf32>
        %swap3A_321 = vector.shape_cast %mul3A_314 : vector<16xf32> to vector<1x1x16xf32>
        tpu.vector_store %arg7[%swap3A_316, %swap3A_317, %swap3A_318], %swap3A_321 {strides = array<i32>} : memref<2x128x64xf32, #tpu.memory_space<vmem>>, vector<1x1x16xf32>,
        %get3A_322 = arith.constant 0 : i32
        %get3A_323 = arith.index_cast %get3A_322 : i32 to index
        %get3A_324 = arith.index_cast %scan3A_305 : i32 to index
        %get3A_325 = arith.constant 16 : index
        %get3A_326 = tpu.vector_load %arg6[%get3A_323, %get3A_324, %get3A_325] {strides = array<i32>} : memref<2x128x128xf32, #tpu.memory_space<vmem>>, vector<1x1x16xf32>,
        %get3A_327 = vector.shape_cast %get3A_326 : vector<1x1x16xf32> to vector<16xf32>
        %mul3A_328 = arith.constant 8.000000e+00 : f32
        %mul3A_329 = vector.broadcast %mul3A_328 : f32 to vector<16xf32>
        %mul3A_330 = arith.mulf %get3A_327, %mul3A_329 : vector<16xf32>
        %swap3A_331 = arith.constant 0 : i32
        %swap3A_332 = arith.index_cast %swap3A_331 : i32 to index
        %swap3A_333 = arith.index_cast %scan3A_305 : i32 to index
        %swap3A_334 = arith.constant 16 : index
        %swap3A_335 = tpu.vector_load %arg7[%swap3A_332, %swap3A_333, %swap3A_334] {strides = array<i32>} : memref<2x128x64xf32, #tpu.memory_space<vmem>>, vector<1x1x16xf32>,
        %swap3A_336 = vector.shape_cast %swap3A_335 : vector<1x1x16xf32> to vector<16xf32>
        %swap3A_337 = vector.shape_cast %mul3A_330 : vector<16xf32> to vector<1x1x16xf32>
        tpu.vector_store %arg7[%swap3A_332, %swap3A_333, %swap3A_334], %swap3A_337 {strides = array<i32>} : memref<2x128x64xf32, #tpu.memory_space<vmem>>, vector<1x1x16xf32>,
        %get3A_338 = arith.constant 0 : i32
        %get3A_339 = arith.index_cast %get3A_338 : i32 to index
        %get3A_340 = arith.index_cast %scan3A_305 : i32 to index
        %get3A_341 = arith.constant 32 : index
        %get3A_342 = tpu.vector_load %arg6[%get3A_339, %get3A_340, %get3A_341] {strides = array<i32>} : memref<2x128x128xf32, #tpu.memory_space<vmem>>, vector<1x1x16xf32>,
        %get3A_343 = vector.shape_cast %get3A_342 : vector<1x1x16xf32> to vector<16xf32>
        %mul3A_344 = arith.constant 8.000000e+00 : f32
        %mul3A_345 = vector.broadcast %mul3A_344 : f32 to vector<16xf32>
        %mul3A_346 = arith.mulf %get3A_343, %mul3A_345 : vector<16xf32>
        %swap3A_347 = arith.constant 0 : i32
        %swap3A_348 = arith.index_cast %swap3A_347 : i32 to index
        %swap3A_349 = arith.index_cast %scan3A_305 : i32 to index
        %swap3A_350 = arith.constant 32 : index
        %swap3A_351 = tpu.vector_load %arg7[%swap3A_348, %swap3A_349, %swap3A_350] {strides = array<i32>} : memref<2x128x64xf32, #tpu.memory_space<vmem>>, vector<1x1x16xf32>,
        %swap3A_352 = vector.shape_cast %swap3A_351 : vector<1x1x16xf32> to vector<16xf32>
        %swap3A_353 = vector.shape_cast %mul3A_346 : vector<16xf32> to vector<1x1x16xf32>
        tpu.vector_store %arg7[%swap3A_348, %swap3A_349, %swap3A_350], %swap3A_353 {strides = array<i32>} : memref<2x128x64xf32, #tpu.memory_space<vmem>>, vector<1x1x16xf32>,
        %get3A_354 = arith.constant 0 : i32
        %get3A_355 = arith.index_cast %get3A_354 : i32 to index
        %get3A_356 = arith.index_cast %scan3A_305 : i32 to index
        %get3A_357 = arith.constant 48 : index
        %get3A_358 = tpu.vector_load %arg6[%get3A_355, %get3A_356, %get3A_357] {strides = array<i32>} : memref<2x128x128xf32, #tpu.memory_space<vmem>>, vector<1x1x16xf32>,
        %get3A_359 = vector.shape_cast %get3A_358 : vector<1x1x16xf32> to vector<16xf32>
        %mul3A_360 = arith.constant 8.000000e+00 : f32
        %mul3A_361 = vector.broadcast %mul3A_360 : f32 to vector<16xf32>
        %mul3A_362 = arith.mulf %get3A_359, %mul3A_361 : vector<16xf32>
        %swap3A_363 = arith.constant 0 : i32
        %swap3A_364 = arith.index_cast %swap3A_363 : i32 to index
        %swap3A_365 = arith.index_cast %scan3A_305 : i32 to index
        %swap3A_366 = arith.constant 48 : index
        %swap3A_367 = tpu.vector_load %arg7[%swap3A_364, %swap3A_365, %swap3A_366] {strides = array<i32>} : memref<2x128x64xf32, #tpu.memory_space<vmem>>, vector<1x1x16xf32>,
        %swap3A_368 = vector.shape_cast %swap3A_367 : vector<1x1x16xf32> to vector<16xf32>
        %swap3A_369 = vector.shape_cast %mul3A_362 : vector<16xf32> to vector<1x1x16xf32>
        tpu.vector_store %arg7[%swap3A_364, %swap3A_365, %swap3A_366], %swap3A_369 {strides = array<i32>} : memref<2x128x64xf32, #tpu.memory_space<vmem>>, vector<1x1x16xf32>,
        %scan3A_370 = arith.constant 3 : i32
        %scan3A_371 = arith.addi %scan3A_175, %scan3A_370 : i32
        %get3A_372 = arith.constant 0 : i32
        %get3A_373 = arith.index_cast %get3A_372 : i32 to index
        %get3A_374 = arith.index_cast %scan3A_371 : i32 to index
        %get3A_375 = arith.constant 0 : index
        %get3A_376 = tpu.vector_load %arg6[%get3A_373, %get3A_374, %get3A_375] {strides = array<i32>} : memref<2x128x128xf32, #tpu.memory_space<vmem>>, vector<1x1x16xf32>,
        %get3A_377 = vector.shape_cast %get3A_376 : vector<1x1x16xf32> to vector<16xf32>
        %mul3A_378 = arith.constant 8.000000e+00 : f32
        %mul3A_379 = vector.broadcast %mul3A_378 : f32 to vector<16xf32>
        %mul3A_380 = arith.mulf %get3A_377, %mul3A_379 : vector<16xf32>
        %swap3A_381 = arith.constant 0 : i32
        %swap3A_382 = arith.index_cast %swap3A_381 : i32 to index
        %swap3A_383 = arith.index_cast %scan3A_371 : i32 to index
        %swap3A_384 = arith.constant 0 : index
        %swap3A_385 = tpu.vector_load %arg7[%swap3A_382, %swap3A_383, %swap3A_384] {strides = array<i32>} : memref<2x128x64xf32, #tpu.memory_space<vmem>>, vector<1x1x16xf32>,
        %swap3A_386 = vector.shape_cast %swap3A_385 : vector<1x1x16xf32> to vector<16xf32>
        %swap3A_387 = vector.shape_cast %mul3A_380 : vector<16xf32> to vector<1x1x16xf32>
        tpu.vector_store %arg7[%swap3A_382, %swap3A_383, %swap3A_384], %swap3A_387 {strides = array<i32>} : memref<2x128x64xf32, #tpu.memory_space<vmem>>, vector<1x1x16xf32>,
        %get3A_388 = arith.constant 0 : i32
        %get3A_389 = arith.index_cast %get3A_388 : i32 to index
        %get3A_390 = arith.index_cast %scan3A_371 : i32 to index
        %get3A_391 = arith.constant 16 : index
        %get3A_392 = tpu.vector_load %arg6[%get3A_389, %get3A_390, %get3A_391] {strides = array<i32>} : memref<2x128x128xf32, #tpu.memory_space<vmem>>, vector<1x1x16xf32>,
        %get3A_393 = vector.shape_cast %get3A_392 : vector<1x1x16xf32> to vector<16xf32>
        %mul3A_394 = arith.constant 8.000000e+00 : f32
        %mul3A_395 = vector.broadcast %mul3A_394 : f32 to vector<16xf32>
        %mul3A_396 = arith.mulf %get3A_393, %mul3A_395 : vector<16xf32>
        %swap3A_397 = arith.constant 0 : i32
        %swap3A_398 = arith.index_cast %swap3A_397 : i32 to index
        %swap3A_399 = arith.index_cast %scan3A_371 : i32 to index
        %swap3A_400 = arith.constant 16 : index
        %swap3A_401 = tpu.vector_load %arg7[%swap3A_398, %swap3A_399, %swap3A_400] {strides = array<i32>} : memref<2x128x64xf32, #tpu.memory_space<vmem>>, vector<1x1x16xf32>,
        %swap3A_402 = vector.shape_cast %swap3A_401 : vector<1x1x16xf32> to vector<16xf32>
        %swap3A_403 = vector.shape_cast %mul3A_396 : vector<16xf32> to vector<1x1x16xf32>
        tpu.vector_store %arg7[%swap3A_398, %swap3A_399, %swap3A_400], %swap3A_403 {strides = array<i32>} : memref<2x128x64xf32, #tpu.memory_space<vmem>>, vector<1x1x16xf32>,
        %get3A_404 = arith.constant 0 : i32
        %get3A_405 = arith.index_cast %get3A_404 : i32 to index
        %get3A_406 = arith.index_cast %scan3A_371 : i32 to index
        %get3A_407 = arith.constant 32 : index
        %get3A_408 = tpu.vector_load %arg6[%get3A_405, %get3A_406, %get3A_407] {strides = array<i32>} : memref<2x128x128xf32, #tpu.memory_space<vmem>>, vector<1x1x16xf32>,
        %get3A_409 = vector.shape_cast %get3A_408 : vector<1x1x16xf32> to vector<16xf32>
        %mul3A_410 = arith.constant 8.000000e+00 : f32
        %mul3A_411 = vector.broadcast %mul3A_410 : f32 to vector<16xf32>
        %mul3A_412 = arith.mulf %get3A_409, %mul3A_411 : vector<16xf32>
        %swap3A_413 = arith.constant 0 : i32
        %swap3A_414 = arith.index_cast %swap3A_413 : i32 to index
        %swap3A_415 = arith.index_cast %scan3A_371 : i32 to index
        %swap3A_416 = arith.constant 32 : index
        %swap3A_417 = tpu.vector_load %arg7[%swap3A_414, %swap3A_415, %swap3A_416] {strides = array<i32>} : memref<2x128x64xf32, #tpu.memory_space<vmem>>, vector<1x1x16xf32>,
        %swap3A_418 = vector.shape_cast %swap3A_417 : vector<1x1x16xf32> to vector<16xf32>
        %swap3A_419 = vector.shape_cast %mul3A_412 : vector<16xf32> to vector<1x1x16xf32>
        tpu.vector_store %arg7[%swap3A_414, %swap3A_415, %swap3A_416], %swap3A_419 {strides = array<i32>} : memref<2x128x64xf32, #tpu.memory_space<vmem>>, vector<1x1x16xf32>,
        %get3A_420 = arith.constant 0 : i32
        %get3A_421 = arith.index_cast %get3A_420 : i32 to index
        %get3A_422 = arith.index_cast %scan3A_371 : i32 to index
        %get3A_423 = arith.constant 48 : index
        %get3A_424 = tpu.vector_load %arg6[%get3A_421, %get3A_422, %get3A_423] {strides = array<i32>} : memref<2x128x128xf32, #tpu.memory_space<vmem>>, vector<1x1x16xf32>,
        %get3A_425 = vector.shape_cast %get3A_424 : vector<1x1x16xf32> to vector<16xf32>
        %mul3A_426 = arith.constant 8.000000e+00 : f32
        %mul3A_427 = vector.broadcast %mul3A_426 : f32 to vector<16xf32>
        %mul3A_428 = arith.mulf %get3A_425, %mul3A_427 : vector<16xf32>
        %swap3A_429 = arith.constant 0 : i32
        %swap3A_430 = arith.index_cast %swap3A_429 : i32 to index
        %swap3A_431 = arith.index_cast %scan3A_371 : i32 to index
        %swap3A_432 = arith.constant 48 : index
        %swap3A_433 = tpu.vector_load %arg7[%swap3A_430, %swap3A_431, %swap3A_432] {strides = array<i32>} : memref<2x128x64xf32, #tpu.memory_space<vmem>>, vector<1x1x16xf32>,
        %swap3A_434 = vector.shape_cast %swap3A_433 : vector<1x1x16xf32> to vector<16xf32>
        %swap3A_435 = vector.shape_cast %mul3A_428 : vector<16xf32> to vector<1x1x16xf32>
        tpu.vector_store %arg7[%swap3A_430, %swap3A_431, %swap3A_432], %swap3A_435 {strides = array<i32>} : memref<2x128x64xf32, #tpu.memory_space<vmem>>, vector<1x1x16xf32>,
      }
      %scan3A_100 = arith.constant 128 : i32
      %dma_start3A_101 = arith.constant 0 : i32
      %dma_start3A_102 = arith.constant 0 : i32
      %dma_start3A_103 = arith.constant 0 : i32
      %dma_start3A_104 = arith.constant 0 : i32
      %dma_start3A_105 = tpu.memref_slice %arg7[%dma_start3A_101, %dma_start3A_103, %dma_start3A_104] : memref<2x128x64xf32, #tpu.memory_space<vmem>> -> memref<1x128x64xf32, #tpu.memory_space<vmem>>
      %dma_start3A_106 = tpu.memref_squeeze %dma_start3A_105 : memref<1x128x64xf32, #tpu.memory_space<vmem>> -> memref<128x64xf32, #tpu.memory_space<vmem>>
      %dma_start3A_107 = arith.constant 0 : i32
      %dma_start3A_108 = tpu.memref_slice %arg4[%mul3A_2, %add3A_78, %dma_start3A_107] : memref<4096x200x64xf32, #tpu.memory_space<hbm>> -> memref<128x1x64xf32, #tpu.memory_space<hbm>>
      %dma_start3A_109 = tpu.memref_squeeze %dma_start3A_108 : memref<128x1x64xf32, #tpu.memory_space<hbm>> -> memref<128x64xf32, #tpu.memory_space<hbm>>
      %dma_start3A_110 = tpu.memref_slice %arg9[%dma_start3A_102] : memref<2x!tpu.dma_semaphore, #tpu.memory_space<semaphore_mem>> -> memref<1x!tpu.dma_semaphore, #tpu.memory_space<semaphore_mem>>
      %dma_start3A_111 = tpu.memref_squeeze %dma_start3A_110 : memref<1x!tpu.dma_semaphore, #tpu.memory_space<semaphore_mem>> -> memref<!tpu.dma_semaphore, #tpu.memory_space<semaphore_mem>>
      %dma_start3A_112 = arith.constant 0 : i32
      %dma_start3A_113 = tpu.memref_slice %arg4[%mul3A_2, %add3A_78, %dma_start3A_112] : memref<4096x200x64xf32, #tpu.memory_space<hbm>> -> memref<128x1x64xf32, #tpu.memory_space<hbm>>
      %dma_start3A_114 = tpu.memref_squeeze %dma_start3A_113 : memref<128x1x64xf32, #tpu.memory_space<hbm>> -> memref<128x64xf32, #tpu.memory_space<hbm>>
      %dma_start3A_115 = arith.constant 0 : i32
      %dma_start3A_116 = arith.constant 0 : i32
      %dma_start3A_117 = tpu.memref_slice %arg7[%dma_start3A_101, %dma_start3A_115, %dma_start3A_116] : memref<2x128x64xf32, #tpu.memory_space<vmem>> -> memref<1x128x64xf32, #tpu.memory_space<vmem>>
      %dma_start3A_118 = tpu.memref_squeeze %dma_start3A_117 : memref<1x128x64xf32, #tpu.memory_space<vmem>> -> memref<128x64xf32, #tpu.memory_space<vmem>>
      tpu.enqueue_dma source(%dma_start3A_118 : memref<128x64xf32, #tpu.memory_space<vmem>>) target(%dma_start3A_114 : memref<128x64xf32, #tpu.memory_space<hbm>>) target_semaphore(%dma_start3A_111 : memref<!tpu.dma_semaphore, #tpu.memory_space<semaphore_mem>>)
      %lt3A = arith.constant 99 : i32
      %lt3A_119 = arith.cmpi slt, %scan3A_74, %lt3A : i32
      %convert_element_type3A_120 = arith.extui %lt3A_119 : i1 to i32
      %cond3A_121 = arith.constant 0 : i32
      %cond3A_122 = arith.cmpi ne, %convert_element_type3A_120, %cond3A_121 : i32
      scf.if %cond3A_122 {
        %add3A_175 = arith.constant 2 : i32
        %add3A_176 = arith.addi %add3A_78, %add3A_175 : i32
        %dma_start3A_177 = arith.constant 0 : i32
        %dma_start3A_178 = arith.constant 0 : i32
        %dma_start3A_179 = arith.constant 0 : i32
        %dma_start3A_180 = arith.constant 0 : i32
        %dma_start3A_181 = tpu.memref_slice %arg6[%dma_start3A_177, %dma_start3A_179, %dma_start3A_180] : memref<2x128x128xf32, #tpu.memory_space<vmem>> -> memref<1x128x128xf32, #tpu.memory_space<vmem>>
        %dma_start3A_182 = tpu.memref_squeeze %dma_start3A_181 : memref<1x128x128xf32, #tpu.memory_space<vmem>> -> memref<128x128xf32, #tpu.memory_space<vmem>>
        %dma_start3A_183 = arith.constant 0 : i32
        %dma_start3A_184 = tpu.memref_slice %arg5[%add3A_176, %dma_start3A_183] : memref<200x128xi32, #tpu.memory_space<vmem>> -> memref<1x128xi32, #tpu.memory_space<vmem>>
        %dma_start3A_185 = tpu.memref_squeeze %dma_start3A_184 : memref<1x128xi32, #tpu.memory_space<vmem>> -> memref<128xi32, #tpu.memory_space<vmem>>
        %dma_start3A_186 = arith.constant 0 : i32
        %dma_start3A_187 = arith.constant 0 : i32
        %dma_start3A_188 = tpu.memref_slice %arg2[%dma_start3A_186, %dma_start3A_187] : memref<1000000x128xf32, #tpu.memory_space<hbm>> -> memref<1000000x128xf32, #tpu.memory_space<hbm>>
        %dma_start3A_189 = tpu.memref_slice %arg8[%dma_start3A_178] : memref<2x!tpu.dma_semaphore, #tpu.memory_space<semaphore_mem>> -> memref<1x!tpu.dma_semaphore, #tpu.memory_space<semaphore_mem>>
        %dma_start3A_190 = tpu.memref_squeeze %dma_start3A_189 : memref<1x!tpu.dma_semaphore, #tpu.memory_space<semaphore_mem>> -> memref<!tpu.dma_semaphore, #tpu.memory_space<semaphore_mem>>
        tpu.enqueue_indirect_dma source(%dma_start3A_188 : memref<1000000x128xf32, #tpu.memory_space<hbm>>) target(%dma_start3A_182 : memref<128x128xf32, #tpu.memory_space<vmem>>) offsets(%dma_start3A_185 : memref<128xi32, #tpu.memory_space<vmem>>) semaphore(%dma_start3A_190 : memref<!tpu.dma_semaphore, #tpu.memory_space<semaphore_mem>>)
      } else {
      }
      %mul3A_123 = arith.constant 2 : i32
      %mul3A_124 = arith.muli %scan3A_74, %mul3A_123 : i32
      %add3A_125 = arith.constant 1 : i32
      %add3A_126 = arith.addi %mul3A_124, %add3A_125 : i32
      %dma_wait3A_127 = arith.constant 1 : i32
      %dma_wait3A_128 = arith.constant 1 : i32
      %dma_wait3A_129 = arith.constant 0 : i32
      %dma_wait3A_130 = arith.constant 0 : i32
      %dma_wait3A_131 = tpu.memref_slice %arg6[%dma_wait3A_127, %dma_wait3A_129, %dma_wait3A_130] : memref<2x128x128xf32, #tpu.memory_space<vmem>> -> memref<1x128x128xf32, #tpu.memory_space<vmem>>
      %dma_wait3A_132 = tpu.memref_squeeze %dma_wait3A_131 : memref<1x128x128xf32, #tpu.memory_space<vmem>> -> memref<128x128xf32, #tpu.memory_space<vmem>>
      %dma_wait3A_133 = arith.constant 0 : i32
      %dma_wait3A_134 = tpu.memref_slice %arg5[%add3A_126, %dma_wait3A_133] : memref<200x128xi32, #tpu.memory_space<vmem>> -> memref<1x128xi32, #tpu.memory_space<vmem>>
      %dma_wait3A_135 = tpu.memref_squeeze %dma_wait3A_134 : memref<1x128xi32, #tpu.memory_space<vmem>> -> memref<128xi32, #tpu.memory_space<vmem>>
      %dma_wait3A_136 = arith.constant 0 : i32
      %dma_wait3A_137 = arith.constant 0 : i32
      %dma_wait3A_138 = tpu.memref_slice %arg2[%dma_wait3A_136, %dma_wait3A_137] : memref<1000000x128xf32, #tpu.memory_space<hbm>> -> memref<1000000x128xf32, #tpu.memory_space<hbm>>
      %dma_wait3A_139 = tpu.memref_slice %arg8[%dma_wait3A_128] : memref<2x!tpu.dma_semaphore, #tpu.memory_space<semaphore_mem>> -> memref<1x!tpu.dma_semaphore, #tpu.memory_space<semaphore_mem>>
      %dma_wait3A_140 = tpu.memref_squeeze %dma_wait3A_139 : memref<1x!tpu.dma_semaphore, #tpu.memory_space<semaphore_mem>> -> memref<!tpu.dma_semaphore, #tpu.memory_space<semaphore_mem>>
      tpu.wait_indirect_dma semaphore(%dma_wait3A_140 : memref<!tpu.dma_semaphore, #tpu.memory_space<semaphore_mem>>) src(%dma_wait3A_138 : memref<1000000x128xf32, #tpu.memory_space<hbm>>) dst(%dma_wait3A_132 : memref<128x128xf32, #tpu.memory_space<vmem>>)
      %gt3A_141 = arith.constant 0 : i32
      %gt3A_142 = arith.cmpi sgt, %scan3A_74, %gt3A_141 : i32
      %convert_element_type3A_143 = arith.extui %gt3A_142 : i1 to i32
      %cond3A_144 = arith.constant 0 : i32
      %cond3A_145 = arith.cmpi ne, %convert_element_type3A_143, %cond3A_144 : i32
      scf.if %cond3A_145 {
        %dma_wait3A_175 = arith.constant 1 : i32
        %dma_wait3A_176 = arith.constant 0 : i32
        %dma_wait3A_177 = arith.constant 1 : i32
        %dma_wait3A_178 = arith.constant 0 : i32
        %dma_wait3A_179 = arith.constant 0 : i32
        %dma_wait3A_180 = tpu.memref_slice %arg7[%dma_wait3A_175, %dma_wait3A_178, %dma_wait3A_179] : memref<2x128x64xf32, #tpu.memory_space<vmem>> -> memref<1x128x64xf32, #tpu.memory_space<vmem>>
        %dma_wait3A_181 = tpu.memref_squeeze %dma_wait3A_180 : memref<1x128x64xf32, #tpu.memory_space<vmem>> -> memref<128x64xf32, #tpu.memory_space<vmem>>
        %dma_wait3A_182 = arith.constant 0 : i32
        %dma_wait3A_183 = tpu.memref_slice %arg4[%mul3A_2, %dma_wait3A_176, %dma_wait3A_182] : memref<4096x200x64xf32, #tpu.memory_space<hbm>> -> memref<128x1x64xf32, #tpu.memory_space<hbm>>
        %dma_wait3A_184 = tpu.memref_squeeze %dma_wait3A_183 : memref<128x1x64xf32, #tpu.memory_space<hbm>> -> memref<128x64xf32, #tpu.memory_space<hbm>>
        %dma_wait3A_185 = tpu.memref_slice %arg9[%dma_wait3A_177] : memref<2x!tpu.dma_semaphore, #tpu.memory_space<semaphore_mem>> -> memref<1x!tpu.dma_semaphore, #tpu.memory_space<semaphore_mem>>
        %dma_wait3A_186 = tpu.memref_squeeze %dma_wait3A_185 : memref<1x!tpu.dma_semaphore, #tpu.memory_space<semaphore_mem>> -> memref<!tpu.dma_semaphore, #tpu.memory_space<semaphore_mem>>
        %dma_wait3A_187 = arith.constant 0 : i32
        %dma_wait3A_188 = tpu.memref_slice %arg4[%mul3A_2, %dma_wait3A_176, %dma_wait3A_187] : memref<4096x200x64xf32, #tpu.memory_space<hbm>> -> memref<128x1x64xf32, #tpu.memory_space<hbm>>
        %dma_wait3A_189 = tpu.memref_squeeze %dma_wait3A_188 : memref<128x1x64xf32, #tpu.memory_space<hbm>> -> memref<128x64xf32, #tpu.memory_space<hbm>>
        %dma_wait3A_190 = arith.constant 0 : i32
        %dma_wait3A_191 = arith.constant 0 : i32
        %dma_wait3A_192 = tpu.memref_slice %arg7[%dma_wait3A_175, %dma_wait3A_190, %dma_wait3A_191] : memref<2x128x64xf32, #tpu.memory_space<vmem>> -> memref<1x128x64xf32, #tpu.memory_space<vmem>>
        %dma_wait3A_193 = tpu.memref_squeeze %dma_wait3A_192 : memref<1x128x64xf32, #tpu.memory_space<vmem>> -> memref<128x64xf32, #tpu.memory_space<vmem>>
        tpu.wait_dma2 semaphore(%dma_wait3A_186 : memref<!tpu.dma_semaphore, #tpu.memory_space<semaphore_mem>>) src(%dma_wait3A_193 : memref<128x64xf32, #tpu.memory_space<vmem>>) dst(%dma_wait3A_189 : memref<128x64xf32, #tpu.memory_space<hbm>>)
      } else {
      }
      %scan3A_146 = arith.constant 0 : i32
      %scan3A_147 = arith.constant 0 : i32
      %scan3A_148 = arith.constant 128 : i32
      %scan3A_149 = arith.addi %scan3A_147, %scan3A_148 : i32
      %scan3A_150 = arith.constant 4 : i32
      scf.for %scan3A_175 = %scan3A_147 to %scan3A_149 step %scan3A_150  : i32 {
        %get3A = arith.constant 1 : i32
        %get3A_176 = arith.index_cast %get3A : i32 to index
        %get3A_177 = arith.index_cast %scan3A_175 : i32 to index
        %get3A_178 = arith.constant 0 : index
        %get3A_179 = tpu.vector_load %arg6[%get3A_176, %get3A_177, %get3A_178] {strides = array<i32>} : memref<2x128x128xf32, #tpu.memory_space<vmem>>, vector<1x1x16xf32>,
        %get3A_180 = vector.shape_cast %get3A_179 : vector<1x1x16xf32> to vector<16xf32>
        %mul3A_181 = arith.constant 8.000000e+00 : f32
        %mul3A_182 = vector.broadcast %mul3A_181 : f32 to vector<16xf32>
        %mul3A_183 = arith.mulf %get3A_180, %mul3A_182 : vector<16xf32>
        %swap3A = arith.constant 1 : i32
        %swap3A_184 = arith.index_cast %swap3A : i32 to index
        %swap3A_185 = arith.index_cast %scan3A_175 : i32 to index
        %swap3A_186 = arith.constant 0 : index
        %swap3A_187 = tpu.vector_load %arg7[%swap3A_184, %swap3A_185, %swap3A_186] {strides = array<i32>} : memref<2x128x64xf32, #tpu.memory_space<vmem>>, vector<1x1x16xf32>,
        %swap3A_188 = vector.shape_cast %swap3A_187 : vector<1x1x16xf32> to vector<16xf32>
        %swap3A_189 = vector.shape_cast %mul3A_183 : vector<16xf32> to vector<1x1x16xf32>
        tpu.vector_store %arg7[%swap3A_184, %swap3A_185, %swap3A_186], %swap3A_189 {strides = array<i32>} : memref<2x128x64xf32, #tpu.memory_space<vmem>>, vector<1x1x16xf32>,
        %get3A_190 = arith.constant 1 : i32
        %get3A_191 = arith.index_cast %get3A_190 : i32 to index
        %get3A_192 = arith.index_cast %scan3A_175 : i32 to index
        %get3A_193 = arith.constant 16 : index
        %get3A_194 = tpu.vector_load %arg6[%get3A_191, %get3A_192, %get3A_193] {strides = array<i32>} : memref<2x128x128xf32, #tpu.memory_space<vmem>>, vector<1x1x16xf32>,
        %get3A_195 = vector.shape_cast %get3A_194 : vector<1x1x16xf32> to vector<16xf32>
        %mul3A_196 = arith.constant 8.000000e+00 : f32
        %mul3A_197 = vector.broadcast %mul3A_196 : f32 to vector<16xf32>
        %mul3A_198 = arith.mulf %get3A_195, %mul3A_197 : vector<16xf32>
        %swap3A_199 = arith.constant 1 : i32
        %swap3A_200 = arith.index_cast %swap3A_199 : i32 to index
        %swap3A_201 = arith.index_cast %scan3A_175 : i32 to index
        %swap3A_202 = arith.constant 16 : index
        %swap3A_203 = tpu.vector_load %arg7[%swap3A_200, %swap3A_201, %swap3A_202] {strides = array<i32>} : memref<2x128x64xf32, #tpu.memory_space<vmem>>, vector<1x1x16xf32>,
        %swap3A_204 = vector.shape_cast %swap3A_203 : vector<1x1x16xf32> to vector<16xf32>
        %swap3A_205 = vector.shape_cast %mul3A_198 : vector<16xf32> to vector<1x1x16xf32>
        tpu.vector_store %arg7[%swap3A_200, %swap3A_201, %swap3A_202], %swap3A_205 {strides = array<i32>} : memref<2x128x64xf32, #tpu.memory_space<vmem>>, vector<1x1x16xf32>,
        %get3A_206 = arith.constant 1 : i32
        %get3A_207 = arith.index_cast %get3A_206 : i32 to index
        %get3A_208 = arith.index_cast %scan3A_175 : i32 to index
        %get3A_209 = arith.constant 32 : index
        %get3A_210 = tpu.vector_load %arg6[%get3A_207, %get3A_208, %get3A_209] {strides = array<i32>} : memref<2x128x128xf32, #tpu.memory_space<vmem>>, vector<1x1x16xf32>,
        %get3A_211 = vector.shape_cast %get3A_210 : vector<1x1x16xf32> to vector<16xf32>
        %mul3A_212 = arith.constant 8.000000e+00 : f32
        %mul3A_213 = vector.broadcast %mul3A_212 : f32 to vector<16xf32>
        %mul3A_214 = arith.mulf %get3A_211, %mul3A_213 : vector<16xf32>
        %swap3A_215 = arith.constant 1 : i32
        %swap3A_216 = arith.index_cast %swap3A_215 : i32 to index
        %swap3A_217 = arith.index_cast %scan3A_175 : i32 to index
        %swap3A_218 = arith.constant 32 : index
        %swap3A_219 = tpu.vector_load %arg7[%swap3A_216, %swap3A_217, %swap3A_218] {strides = array<i32>} : memref<2x128x64xf32, #tpu.memory_space<vmem>>, vector<1x1x16xf32>,
        %swap3A_220 = vector.shape_cast %swap3A_219 : vector<1x1x16xf32> to vector<16xf32>
        %swap3A_221 = vector.shape_cast %mul3A_214 : vector<16xf32> to vector<1x1x16xf32>
        tpu.vector_store %arg7[%swap3A_216, %swap3A_217, %swap3A_218], %swap3A_221 {strides = array<i32>} : memref<2x128x64xf32, #tpu.memory_space<vmem>>, vector<1x1x16xf32>,
        %get3A_222 = arith.constant 1 : i32
        %get3A_223 = arith.index_cast %get3A_222 : i32 to index
        %get3A_224 = arith.index_cast %scan3A_175 : i32 to index
        %get3A_225 = arith.constant 48 : index
        %get3A_226 = tpu.vector_load %arg6[%get3A_223, %get3A_224, %get3A_225] {strides = array<i32>} : memref<2x128x128xf32, #tpu.memory_space<vmem>>, vector<1x1x16xf32>,
        %get3A_227 = vector.shape_cast %get3A_226 : vector<1x1x16xf32> to vector<16xf32>
        %mul3A_228 = arith.constant 8.000000e+00 : f32
        %mul3A_229 = vector.broadcast %mul3A_228 : f32 to vector<16xf32>
        %mul3A_230 = arith.mulf %get3A_227, %mul3A_229 : vector<16xf32>
        %swap3A_231 = arith.constant 1 : i32
        %swap3A_232 = arith.index_cast %swap3A_231 : i32 to index
        %swap3A_233 = arith.index_cast %scan3A_175 : i32 to index
        %swap3A_234 = arith.constant 48 : index
        %swap3A_235 = tpu.vector_load %arg7[%swap3A_232, %swap3A_233, %swap3A_234] {strides = array<i32>} : memref<2x128x64xf32, #tpu.memory_space<vmem>>, vector<1x1x16xf32>,
        %swap3A_236 = vector.shape_cast %swap3A_235 : vector<1x1x16xf32> to vector<16xf32>
        %swap3A_237 = vector.shape_cast %mul3A_230 : vector<16xf32> to vector<1x1x16xf32>
        tpu.vector_store %arg7[%swap3A_232, %swap3A_233, %swap3A_234], %swap3A_237 {strides = array<i32>} : memref<2x128x64xf32, #tpu.memory_space<vmem>>, vector<1x1x16xf32>,
        %scan3A_238 = arith.constant 1 : i32
        %scan3A_239 = arith.addi %scan3A_175, %scan3A_238 : i32
        %get3A_240 = arith.constant 1 : i32
        %get3A_241 = arith.index_cast %get3A_240 : i32 to index
        %get3A_242 = arith.index_cast %scan3A_239 : i32 to index
        %get3A_243 = arith.constant 0 : index
        %get3A_244 = tpu.vector_load %arg6[%get3A_241, %get3A_242, %get3A_243] {strides = array<i32>} : memref<2x128x128xf32, #tpu.memory_space<vmem>>, vector<1x1x16xf32>,
        %get3A_245 = vector.shape_cast %get3A_244 : vector<1x1x16xf32> to vector<16xf32>
        %mul3A_246 = arith.constant 8.000000e+00 : f32
        %mul3A_247 = vector.broadcast %mul3A_246 : f32 to vector<16xf32>
        %mul3A_248 = arith.mulf %get3A_245, %mul3A_247 : vector<16xf32>
        %swap3A_249 = arith.constant 1 : i32
        %swap3A_250 = arith.index_cast %swap3A_249 : i32 to index
        %swap3A_251 = arith.index_cast %scan3A_239 : i32 to index
        %swap3A_252 = arith.constant 0 : index
        %swap3A_253 = tpu.vector_load %arg7[%swap3A_250, %swap3A_251, %swap3A_252] {strides = array<i32>} : memref<2x128x64xf32, #tpu.memory_space<vmem>>, vector<1x1x16xf32>,
        %swap3A_254 = vector.shape_cast %swap3A_253 : vector<1x1x16xf32> to vector<16xf32>
        %swap3A_255 = vector.shape_cast %mul3A_248 : vector<16xf32> to vector<1x1x16xf32>
        tpu.vector_store %arg7[%swap3A_250, %swap3A_251, %swap3A_252], %swap3A_255 {strides = array<i32>} : memref<2x128x64xf32, #tpu.memory_space<vmem>>, vector<1x1x16xf32>,
        %get3A_256 = arith.constant 1 : i32
        %get3A_257 = arith.index_cast %get3A_256 : i32 to index
        %get3A_258 = arith.index_cast %scan3A_239 : i32 to index
        %get3A_259 = arith.constant 16 : index
        %get3A_260 = tpu.vector_load %arg6[%get3A_257, %get3A_258, %get3A_259] {strides = array<i32>} : memref<2x128x128xf32, #tpu.memory_space<vmem>>, vector<1x1x16xf32>,
        %get3A_261 = vector.shape_cast %get3A_260 : vector<1x1x16xf32> to vector<16xf32>
        %mul3A_262 = arith.constant 8.000000e+00 : f32
        %mul3A_263 = vector.broadcast %mul3A_262 : f32 to vector<16xf32>
        %mul3A_264 = arith.mulf %get3A_261, %mul3A_263 : vector<16xf32>
        %swap3A_265 = arith.constant 1 : i32
        %swap3A_266 = arith.index_cast %swap3A_265 : i32 to index
        %swap3A_267 = arith.index_cast %scan3A_239 : i32 to index
        %swap3A_268 = arith.constant 16 : index
        %swap3A_269 = tpu.vector_load %arg7[%swap3A_266, %swap3A_267, %swap3A_268] {strides = array<i32>} : memref<2x128x64xf32, #tpu.memory_space<vmem>>, vector<1x1x16xf32>,
        %swap3A_270 = vector.shape_cast %swap3A_269 : vector<1x1x16xf32> to vector<16xf32>
        %swap3A_271 = vector.shape_cast %mul3A_264 : vector<16xf32> to vector<1x1x16xf32>
        tpu.vector_store %arg7[%swap3A_266, %swap3A_267, %swap3A_268], %swap3A_271 {strides = array<i32>} : memref<2x128x64xf32, #tpu.memory_space<vmem>>, vector<1x1x16xf32>,
        %get3A_272 = arith.constant 1 : i32
        %get3A_273 = arith.index_cast %get3A_272 : i32 to index
        %get3A_274 = arith.index_cast %scan3A_239 : i32 to index
        %get3A_275 = arith.constant 32 : index
        %get3A_276 = tpu.vector_load %arg6[%get3A_273, %get3A_274, %get3A_275] {strides = array<i32>} : memref<2x128x128xf32, #tpu.memory_space<vmem>>, vector<1x1x16xf32>,
        %get3A_277 = vector.shape_cast %get3A_276 : vector<1x1x16xf32> to vector<16xf32>
        %mul3A_278 = arith.constant 8.000000e+00 : f32
        %mul3A_279 = vector.broadcast %mul3A_278 : f32 to vector<16xf32>
        %mul3A_280 = arith.mulf %get3A_277, %mul3A_279 : vector<16xf32>
        %swap3A_281 = arith.constant 1 : i32
        %swap3A_282 = arith.index_cast %swap3A_281 : i32 to index
        %swap3A_283 = arith.index_cast %scan3A_239 : i32 to index
        %swap3A_284 = arith.constant 32 : index
        %swap3A_285 = tpu.vector_load %arg7[%swap3A_282, %swap3A_283, %swap3A_284] {strides = array<i32>} : memref<2x128x64xf32, #tpu.memory_space<vmem>>, vector<1x1x16xf32>,
        %swap3A_286 = vector.shape_cast %swap3A_285 : vector<1x1x16xf32> to vector<16xf32>
        %swap3A_287 = vector.shape_cast %mul3A_280 : vector<16xf32> to vector<1x1x16xf32>
        tpu.vector_store %arg7[%swap3A_282, %swap3A_283, %swap3A_284], %swap3A_287 {strides = array<i32>} : memref<2x128x64xf32, #tpu.memory_space<vmem>>, vector<1x1x16xf32>,
        %get3A_288 = arith.constant 1 : i32
        %get3A_289 = arith.index_cast %get3A_288 : i32 to index
        %get3A_290 = arith.index_cast %scan3A_239 : i32 to index
        %get3A_291 = arith.constant 48 : index
        %get3A_292 = tpu.vector_load %arg6[%get3A_289, %get3A_290, %get3A_291] {strides = array<i32>} : memref<2x128x128xf32, #tpu.memory_space<vmem>>, vector<1x1x16xf32>,
        %get3A_293 = vector.shape_cast %get3A_292 : vector<1x1x16xf32> to vector<16xf32>
        %mul3A_294 = arith.constant 8.000000e+00 : f32
        %mul3A_295 = vector.broadcast %mul3A_294 : f32 to vector<16xf32>
        %mul3A_296 = arith.mulf %get3A_293, %mul3A_295 : vector<16xf32>
        %swap3A_297 = arith.constant 1 : i32
        %swap3A_298 = arith.index_cast %swap3A_297 : i32 to index
        %swap3A_299 = arith.index_cast %scan3A_239 : i32 to index
        %swap3A_300 = arith.constant 48 : index
        %swap3A_301 = tpu.vector_load %arg7[%swap3A_298, %swap3A_299, %swap3A_300] {strides = array<i32>} : memref<2x128x64xf32, #tpu.memory_space<vmem>>, vector<1x1x16xf32>,
        %swap3A_302 = vector.shape_cast %swap3A_301 : vector<1x1x16xf32> to vector<16xf32>
        %swap3A_303 = vector.shape_cast %mul3A_296 : vector<16xf32> to vector<1x1x16xf32>
        tpu.vector_store %arg7[%swap3A_298, %swap3A_299, %swap3A_300], %swap3A_303 {strides = array<i32>} : memref<2x128x64xf32, #tpu.memory_space<vmem>>, vector<1x1x16xf32>,
        %scan3A_304 = arith.constant 2 : i32
        %scan3A_305 = arith.addi %scan3A_175, %scan3A_304 : i32
        %get3A_306 = arith.constant 1 : i32
        %get3A_307 = arith.index_cast %get3A_306 : i32 to index
        %get3A_308 = arith.index_cast %scan3A_305 : i32 to index
        %get3A_309 = arith.constant 0 : index
        %get3A_310 = tpu.vector_load %arg6[%get3A_307, %get3A_308, %get3A_309] {strides = array<i32>} : memref<2x128x128xf32, #tpu.memory_space<vmem>>, vector<1x1x16xf32>,
        %get3A_311 = vector.shape_cast %get3A_310 : vector<1x1x16xf32> to vector<16xf32>
        %mul3A_312 = arith.constant 8.000000e+00 : f32
        %mul3A_313 = vector.broadcast %mul3A_312 : f32 to vector<16xf32>
        %mul3A_314 = arith.mulf %get3A_311, %mul3A_313 : vector<16xf32>
        %swap3A_315 = arith.constant 1 : i32
        %swap3A_316 = arith.index_cast %swap3A_315 : i32 to index
        %swap3A_317 = arith.index_cast %scan3A_305 : i32 to index
        %swap3A_318 = arith.constant 0 : index
        %swap3A_319 = tpu.vector_load %arg7[%swap3A_316, %swap3A_317, %swap3A_318] {strides = array<i32>} : memref<2x128x64xf32, #tpu.memory_space<vmem>>, vector<1x1x16xf32>,
        %swap3A_320 = vector.shape_cast %swap3A_319 : vector<1x1x16xf32> to vector<16xf32>
        %swap3A_321 = vector.shape_cast %mul3A_314 : vector<16xf32> to vector<1x1x16xf32>
        tpu.vector_store %arg7[%swap3A_316, %swap3A_317, %swap3A_318], %swap3A_321 {strides = array<i32>} : memref<2x128x64xf32, #tpu.memory_space<vmem>>, vector<1x1x16xf32>,
        %get3A_322 = arith.constant 1 : i32
        %get3A_323 = arith.index_cast %get3A_322 : i32 to index
        %get3A_324 = arith.index_cast %scan3A_305 : i32 to index
        %get3A_325 = arith.constant 16 : index
        %get3A_326 = tpu.vector_load %arg6[%get3A_323, %get3A_324, %get3A_325] {strides = array<i32>} : memref<2x128x128xf32, #tpu.memory_space<vmem>>, vector<1x1x16xf32>,
        %get3A_327 = vector.shape_cast %get3A_326 : vector<1x1x16xf32> to vector<16xf32>
        %mul3A_328 = arith.constant 8.000000e+00 : f32
        %mul3A_329 = vector.broadcast %mul3A_328 : f32 to vector<16xf32>
        %mul3A_330 = arith.mulf %get3A_327, %mul3A_329 : vector<16xf32>
        %swap3A_331 = arith.constant 1 : i32
        %swap3A_332 = arith.index_cast %swap3A_331 : i32 to index
        %swap3A_333 = arith.index_cast %scan3A_305 : i32 to index
        %swap3A_334 = arith.constant 16 : index
        %swap3A_335 = tpu.vector_load %arg7[%swap3A_332, %swap3A_333, %swap3A_334] {strides = array<i32>} : memref<2x128x64xf32, #tpu.memory_space<vmem>>, vector<1x1x16xf32>,
        %swap3A_336 = vector.shape_cast %swap3A_335 : vector<1x1x16xf32> to vector<16xf32>
        %swap3A_337 = vector.shape_cast %mul3A_330 : vector<16xf32> to vector<1x1x16xf32>
        tpu.vector_store %arg7[%swap3A_332, %swap3A_333, %swap3A_334], %swap3A_337 {strides = array<i32>} : memref<2x128x64xf32, #tpu.memory_space<vmem>>, vector<1x1x16xf32>,
        %get3A_338 = arith.constant 1 : i32
        %get3A_339 = arith.index_cast %get3A_338 : i32 to index
        %get3A_340 = arith.index_cast %scan3A_305 : i32 to index
        %get3A_341 = arith.constant 32 : index
        %get3A_342 = tpu.vector_load %arg6[%get3A_339, %get3A_340, %get3A_341] {strides = array<i32>} : memref<2x128x128xf32, #tpu.memory_space<vmem>>, vector<1x1x16xf32>,
        %get3A_343 = vector.shape_cast %get3A_342 : vector<1x1x16xf32> to vector<16xf32>
        %mul3A_344 = arith.constant 8.000000e+00 : f32
        %mul3A_345 = vector.broadcast %mul3A_344 : f32 to vector<16xf32>
        %mul3A_346 = arith.mulf %get3A_343, %mul3A_345 : vector<16xf32>
        %swap3A_347 = arith.constant 1 : i32
        %swap3A_348 = arith.index_cast %swap3A_347 : i32 to index
        %swap3A_349 = arith.index_cast %scan3A_305 : i32 to index
        %swap3A_350 = arith.constant 32 : index
        %swap3A_351 = tpu.vector_load %arg7[%swap3A_348, %swap3A_349, %swap3A_350] {strides = array<i32>} : memref<2x128x64xf32, #tpu.memory_space<vmem>>, vector<1x1x16xf32>,
        %swap3A_352 = vector.shape_cast %swap3A_351 : vector<1x1x16xf32> to vector<16xf32>
        %swap3A_353 = vector.shape_cast %mul3A_346 : vector<16xf32> to vector<1x1x16xf32>
        tpu.vector_store %arg7[%swap3A_348, %swap3A_349, %swap3A_350], %swap3A_353 {strides = array<i32>} : memref<2x128x64xf32, #tpu.memory_space<vmem>>, vector<1x1x16xf32>,
        %get3A_354 = arith.constant 1 : i32
        %get3A_355 = arith.index_cast %get3A_354 : i32 to index
        %get3A_356 = arith.index_cast %scan3A_305 : i32 to index
        %get3A_357 = arith.constant 48 : index
        %get3A_358 = tpu.vector_load %arg6[%get3A_355, %get3A_356, %get3A_357] {strides = array<i32>} : memref<2x128x128xf32, #tpu.memory_space<vmem>>, vector<1x1x16xf32>,
        %get3A_359 = vector.shape_cast %get3A_358 : vector<1x1x16xf32> to vector<16xf32>
        %mul3A_360 = arith.constant 8.000000e+00 : f32
        %mul3A_361 = vector.broadcast %mul3A_360 : f32 to vector<16xf32>
        %mul3A_362 = arith.mulf %get3A_359, %mul3A_361 : vector<16xf32>
        %swap3A_363 = arith.constant 1 : i32
        %swap3A_364 = arith.index_cast %swap3A_363 : i32 to index
        %swap3A_365 = arith.index_cast %scan3A_305 : i32 to index
        %swap3A_366 = arith.constant 48 : index
        %swap3A_367 = tpu.vector_load %arg7[%swap3A_364, %swap3A_365, %swap3A_366] {strides = array<i32>} : memref<2x128x64xf32, #tpu.memory_space<vmem>>, vector<1x1x16xf32>,
        %swap3A_368 = vector.shape_cast %swap3A_367 : vector<1x1x16xf32> to vector<16xf32>
        %swap3A_369 = vector.shape_cast %mul3A_362 : vector<16xf32> to vector<1x1x16xf32>
        tpu.vector_store %arg7[%swap3A_364, %swap3A_365, %swap3A_366], %swap3A_369 {strides = array<i32>} : memref<2x128x64xf32, #tpu.memory_space<vmem>>, vector<1x1x16xf32>,
        %scan3A_370 = arith.constant 3 : i32
        %scan3A_371 = arith.addi %scan3A_175, %scan3A_370 : i32
        %get3A_372 = arith.constant 1 : i32
        %get3A_373 = arith.index_cast %get3A_372 : i32 to index
        %get3A_374 = arith.index_cast %scan3A_371 : i32 to index
        %get3A_375 = arith.constant 0 : index
        %get3A_376 = tpu.vector_load %arg6[%get3A_373, %get3A_374, %get3A_375] {strides = array<i32>} : memref<2x128x128xf32, #tpu.memory_space<vmem>>, vector<1x1x16xf32>,
        %get3A_377 = vector.shape_cast %get3A_376 : vector<1x1x16xf32> to vector<16xf32>
        %mul3A_378 = arith.constant 8.000000e+00 : f32
        %mul3A_379 = vector.broadcast %mul3A_378 : f32 to vector<16xf32>
        %mul3A_380 = arith.mulf %get3A_377, %mul3A_379 : vector<16xf32>
        %swap3A_381 = arith.constant 1 : i32
        %swap3A_382 = arith.index_cast %swap3A_381 : i32 to index
        %swap3A_383 = arith.index_cast %scan3A_371 : i32 to index
        %swap3A_384 = arith.constant 0 : index
        %swap3A_385 = tpu.vector_load %arg7[%swap3A_382, %swap3A_383, %swap3A_384] {strides = array<i32>} : memref<2x128x64xf32, #tpu.memory_space<vmem>>, vector<1x1x16xf32>,
        %swap3A_386 = vector.shape_cast %swap3A_385 : vector<1x1x16xf32> to vector<16xf32>
        %swap3A_387 = vector.shape_cast %mul3A_380 : vector<16xf32> to vector<1x1x16xf32>
        tpu.vector_store %arg7[%swap3A_382, %swap3A_383, %swap3A_384], %swap3A_387 {strides = array<i32>} : memref<2x128x64xf32, #tpu.memory_space<vmem>>, vector<1x1x16xf32>,
        %get3A_388 = arith.constant 1 : i32
        %get3A_389 = arith.index_cast %get3A_388 : i32 to index
        %get3A_390 = arith.index_cast %scan3A_371 : i32 to index
        %get3A_391 = arith.constant 16 : index
        %get3A_392 = tpu.vector_load %arg6[%get3A_389, %get3A_390, %get3A_391] {strides = array<i32>} : memref<2x128x128xf32, #tpu.memory_space<vmem>>, vector<1x1x16xf32>,
        %get3A_393 = vector.shape_cast %get3A_392 : vector<1x1x16xf32> to vector<16xf32>
        %mul3A_394 = arith.constant 8.000000e+00 : f32
        %mul3A_395 = vector.broadcast %mul3A_394 : f32 to vector<16xf32>
        %mul3A_396 = arith.mulf %get3A_393, %mul3A_395 : vector<16xf32>
        %swap3A_397 = arith.constant 1 : i32
        %swap3A_398 = arith.index_cast %swap3A_397 : i32 to index
        %swap3A_399 = arith.index_cast %scan3A_371 : i32 to index
        %swap3A_400 = arith.constant 16 : index
        %swap3A_401 = tpu.vector_load %arg7[%swap3A_398, %swap3A_399, %swap3A_400] {strides = array<i32>} : memref<2x128x64xf32, #tpu.memory_space<vmem>>, vector<1x1x16xf32>,
        %swap3A_402 = vector.shape_cast %swap3A_401 : vector<1x1x16xf32> to vector<16xf32>
        %swap3A_403 = vector.shape_cast %mul3A_396 : vector<16xf32> to vector<1x1x16xf32>
        tpu.vector_store %arg7[%swap3A_398, %swap3A_399, %swap3A_400], %swap3A_403 {strides = array<i32>} : memref<2x128x64xf32, #tpu.memory_space<vmem>>, vector<1x1x16xf32>,
        %get3A_404 = arith.constant 1 : i32
        %get3A_405 = arith.index_cast %get3A_404 : i32 to index
        %get3A_406 = arith.index_cast %scan3A_371 : i32 to index
        %get3A_407 = arith.constant 32 : index
        %get3A_408 = tpu.vector_load %arg6[%get3A_405, %get3A_406, %get3A_407] {strides = array<i32>} : memref<2x128x128xf32, #tpu.memory_space<vmem>>, vector<1x1x16xf32>,
        %get3A_409 = vector.shape_cast %get3A_408 : vector<1x1x16xf32> to vector<16xf32>
        %mul3A_410 = arith.constant 8.000000e+00 : f32
        %mul3A_411 = vector.broadcast %mul3A_410 : f32 to vector<16xf32>
        %mul3A_412 = arith.mulf %get3A_409, %mul3A_411 : vector<16xf32>
        %swap3A_413 = arith.constant 1 : i32
        %swap3A_414 = arith.index_cast %swap3A_413 : i32 to index
        %swap3A_415 = arith.index_cast %scan3A_371 : i32 to index
        %swap3A_416 = arith.constant 32 : index
        %swap3A_417 = tpu.vector_load %arg7[%swap3A_414, %swap3A_415, %swap3A_416] {strides = array<i32>} : memref<2x128x64xf32, #tpu.memory_space<vmem>>, vector<1x1x16xf32>,
        %swap3A_418 = vector.shape_cast %swap3A_417 : vector<1x1x16xf32> to vector<16xf32>
        %swap3A_419 = vector.shape_cast %mul3A_412 : vector<16xf32> to vector<1x1x16xf32>
        tpu.vector_store %arg7[%swap3A_414, %swap3A_415, %swap3A_416], %swap3A_419 {strides = array<i32>} : memref<2x128x64xf32, #tpu.memory_space<vmem>>, vector<1x1x16xf32>,
        %get3A_420 = arith.constant 1 : i32
        %get3A_421 = arith.index_cast %get3A_420 : i32 to index
        %get3A_422 = arith.index_cast %scan3A_371 : i32 to index
        %get3A_423 = arith.constant 48 : index
        %get3A_424 = tpu.vector_load %arg6[%get3A_421, %get3A_422, %get3A_423] {strides = array<i32>} : memref<2x128x128xf32, #tpu.memory_space<vmem>>, vector<1x1x16xf32>,
        %get3A_425 = vector.shape_cast %get3A_424 : vector<1x1x16xf32> to vector<16xf32>
        %mul3A_426 = arith.constant 8.000000e+00 : f32
        %mul3A_427 = vector.broadcast %mul3A_426 : f32 to vector<16xf32>
        %mul3A_428 = arith.mulf %get3A_425, %mul3A_427 : vector<16xf32>
        %swap3A_429 = arith.constant 1 : i32
        %swap3A_430 = arith.index_cast %swap3A_429 : i32 to index
        %swap3A_431 = arith.index_cast %scan3A_371 : i32 to index
        %swap3A_432 = arith.constant 48 : index
        %swap3A_433 = tpu.vector_load %arg7[%swap3A_430, %swap3A_431, %swap3A_432] {strides = array<i32>} : memref<2x128x64xf32, #tpu.memory_space<vmem>>, vector<1x1x16xf32>,
        %swap3A_434 = vector.shape_cast %swap3A_433 : vector<1x1x16xf32> to vector<16xf32>
        %swap3A_435 = vector.shape_cast %mul3A_428 : vector<16xf32> to vector<1x1x16xf32>
        tpu.vector_store %arg7[%swap3A_430, %swap3A_431, %swap3A_432], %swap3A_435 {strides = array<i32>} : memref<2x128x64xf32, #tpu.memory_space<vmem>>, vector<1x1x16xf32>,
      }
      %scan3A_151 = arith.constant 128 : i32
      %dma_start3A_152 = arith.constant 1 : i32
      %dma_start3A_153 = arith.constant 1 : i32
      %dma_start3A_154 = arith.constant 0 : i32
      %dma_start3A_155 = arith.constant 0 : i32
      %dma_start3A_156 = tpu.memref_slice %arg7[%dma_start3A_152, %dma_start3A_154, %dma_start3A_155] : memref<2x128x64xf32, #tpu.memory_space<vmem>> -> memref<1x128x64xf32, #tpu.memory_space<vmem>>
      %dma_start3A_157 = tpu.memref_squeeze %dma_start3A_156 : memref<1x128x64xf32, #tpu.memory_space<vmem>> -> memref<128x64xf32, #tpu.memory_space<vmem>>
      %dma_start3A_158 = arith.constant 0 : i32
      %dma_start3A_159 = tpu.memref_slice %arg4[%mul3A_2, %add3A_126, %dma_start3A_158] : memref<4096x200x64xf32, #tpu.memory_space<hbm>> -> memref<128x1x64xf32, #tpu.memory_space<hbm>>
      %dma_start3A_160 = tpu.memref_squeeze %dma_start3A_159 : memref<128x1x64xf32, #tpu.memory_space<hbm>> -> memref<128x64xf32, #tpu.memory_space<hbm>>
      %dma_start3A_161 = tpu.memref_slice %arg9[%dma_start3A_153] : memref<2x!tpu.dma_semaphore, #tpu.memory_space<semaphore_mem>> -> memref<1x!tpu.dma_semaphore, #tpu.memory_space<semaphore_mem>>
      %dma_start3A_162 = tpu.memref_squeeze %dma_start3A_161 : memref<1x!tpu.dma_semaphore, #tpu.memory_space<semaphore_mem>> -> memref<!tpu.dma_semaphore, #tpu.memory_space<semaphore_mem>>
      %dma_start3A_163 = arith.constant 0 : i32
      %dma_start3A_164 = tpu.memref_slice %arg4[%mul3A_2, %add3A_126, %dma_start3A_163] : memref<4096x200x64xf32, #tpu.memory_space<hbm>> -> memref<128x1x64xf32, #tpu.memory_space<hbm>>
      %dma_start3A_165 = tpu.memref_squeeze %dma_start3A_164 : memref<128x1x64xf32, #tpu.memory_space<hbm>> -> memref<128x64xf32, #tpu.memory_space<hbm>>
      %dma_start3A_166 = arith.constant 0 : i32
      %dma_start3A_167 = arith.constant 0 : i32
      %dma_start3A_168 = tpu.memref_slice %arg7[%dma_start3A_152, %dma_start3A_166, %dma_start3A_167] : memref<2x128x64xf32, #tpu.memory_space<vmem>> -> memref<1x128x64xf32, #tpu.memory_space<vmem>>
      %dma_start3A_169 = tpu.memref_squeeze %dma_start3A_168 : memref<1x128x64xf32, #tpu.memory_space<vmem>> -> memref<128x64xf32, #tpu.memory_space<vmem>>
      tpu.enqueue_dma source(%dma_start3A_169 : memref<128x64xf32, #tpu.memory_space<vmem>>) target(%dma_start3A_165 : memref<128x64xf32, #tpu.memory_space<hbm>>) target_semaphore(%dma_start3A_162 : memref<!tpu.dma_semaphore, #tpu.memory_space<semaphore_mem>>)
      %lt3A_170 = arith.constant 99 : i32
      %lt3A_171 = arith.cmpi slt, %scan3A_74, %lt3A_170 : i32
      %convert_element_type3A_172 = arith.extui %lt3A_171 : i1 to i32
      %cond3A_173 = arith.constant 0 : i32
      %cond3A_174 = arith.cmpi ne, %convert_element_type3A_172, %cond3A_173 : i32
      scf.if %cond3A_174 {
        %add3A_175 = arith.constant 2 : i32
        %add3A_176 = arith.addi %add3A_126, %add3A_175 : i32
        %dma_start3A_177 = arith.constant 1 : i32
        %dma_start3A_178 = arith.constant 1 : i32
        %dma_start3A_179 = arith.constant 0 : i32
        %dma_start3A_180 = arith.constant 0 : i32
        %dma_start3A_181 = tpu.memref_slice %arg6[%dma_start3A_177, %dma_start3A_179, %dma_start3A_180] : memref<2x128x128xf32, #tpu.memory_space<vmem>> -> memref<1x128x128xf32, #tpu.memory_space<vmem>>
        %dma_start3A_182 = tpu.memref_squeeze %dma_start3A_181 : memref<1x128x128xf32, #tpu.memory_space<vmem>> -> memref<128x128xf32, #tpu.memory_space<vmem>>
        %dma_start3A_183 = arith.constant 0 : i32
        %dma_start3A_184 = tpu.memref_slice %arg5[%add3A_176, %dma_start3A_183] : memref<200x128xi32, #tpu.memory_space<vmem>> -> memref<1x128xi32, #tpu.memory_space<vmem>>
        %dma_start3A_185 = tpu.memref_squeeze %dma_start3A_184 : memref<1x128xi32, #tpu.memory_space<vmem>> -> memref<128xi32, #tpu.memory_space<vmem>>
        %dma_start3A_186 = arith.constant 0 : i32
        %dma_start3A_187 = arith.constant 0 : i32
        %dma_start3A_188 = tpu.memref_slice %arg2[%dma_start3A_186, %dma_start3A_187] : memref<1000000x128xf32, #tpu.memory_space<hbm>> -> memref<1000000x128xf32, #tpu.memory_space<hbm>>
        %dma_start3A_189 = tpu.memref_slice %arg8[%dma_start3A_178] : memref<2x!tpu.dma_semaphore, #tpu.memory_space<semaphore_mem>> -> memref<1x!tpu.dma_semaphore, #tpu.memory_space<semaphore_mem>>
        %dma_start3A_190 = tpu.memref_squeeze %dma_start3A_189 : memref<1x!tpu.dma_semaphore, #tpu.memory_space<semaphore_mem>> -> memref<!tpu.dma_semaphore, #tpu.memory_space<semaphore_mem>>
        tpu.enqueue_indirect_dma source(%dma_start3A_188 : memref<1000000x128xf32, #tpu.memory_space<hbm>>) target(%dma_start3A_182 : memref<128x128xf32, #tpu.memory_space<vmem>>) offsets(%dma_start3A_185 : memref<128xi32, #tpu.memory_space<vmem>>) semaphore(%dma_start3A_190 : memref<!tpu.dma_semaphore, #tpu.memory_space<semaphore_mem>>)
      } else {
      }
    }
    %scan3A_36 = arith.constant 100 : i32
    %dma_wait3A = arith.constant 0 : i32
    %dma_wait3A_37 = arith.constant 0 : i32
    %dma_wait3A_38 = arith.constant 0 : i32
    %dma_wait3A_39 = arith.constant 0 : i32
    %dma_wait3A_40 = arith.constant 0 : i32
    %dma_wait3A_41 = tpu.memref_slice %arg7[%dma_wait3A, %dma_wait3A_39, %dma_wait3A_40] : memref<2x128x64xf32, #tpu.memory_space<vmem>> -> memref<1x128x64xf32, #tpu.memory_space<vmem>>
    %dma_wait3A_42 = tpu.memref_squeeze %dma_wait3A_41 : memref<1x128x64xf32, #tpu.memory_space<vmem>> -> memref<128x64xf32, #tpu.memory_space<vmem>>
    %dma_wait3A_43 = arith.constant 0 : i32
    %dma_wait3A_44 = tpu.memref_slice %arg4[%mul3A_2, %dma_wait3A_37, %dma_wait3A_43] : memref<4096x200x64xf32, #tpu.memory_space<hbm>> -> memref<128x1x64xf32, #tpu.memory_space<hbm>>
    %dma_wait3A_45 = tpu.memref_squeeze %dma_wait3A_44 : memref<128x1x64xf32, #tpu.memory_space<hbm>> -> memref<128x64xf32, #tpu.memory_space<hbm>>
    %dma_wait3A_46 = tpu.memref_slice %arg9[%dma_wait3A_38] : memref<2x!tpu.dma_semaphore, #tpu.memory_space<semaphore_mem>> -> memref<1x!tpu.dma_semaphore, #tpu.memory_space<semaphore_mem>>
    %dma_wait3A_47 = tpu.memref_squeeze %dma_wait3A_46 : memref<1x!tpu.dma_semaphore, #tpu.memory_space<semaphore_mem>> -> memref<!tpu.dma_semaphore, #tpu.memory_space<semaphore_mem>>
    %dma_wait3A_48 = arith.constant 0 : i32
    %dma_wait3A_49 = tpu.memref_slice %arg4[%mul3A_2, %dma_wait3A_37, %dma_wait3A_48] : memref<4096x200x64xf32, #tpu.memory_space<hbm>> -> memref<128x1x64xf32, #tpu.memory_space<hbm>>
    %dma_wait3A_50 = tpu.memref_squeeze %dma_wait3A_49 : memref<128x1x64xf32, #tpu.memory_space<hbm>> -> memref<128x64xf32, #tpu.memory_space<hbm>>
    %dma_wait3A_51 = arith.constant 0 : i32
    %dma_wait3A_52 = arith.constant 0 : i32
    %dma_wait3A_53 = tpu.memref_slice %arg7[%dma_wait3A, %dma_wait3A_51, %dma_wait3A_52] : memref<2x128x64xf32, #tpu.memory_space<vmem>> -> memref<1x128x64xf32, #tpu.memory_space<vmem>>
    %dma_wait3A_54 = tpu.memref_squeeze %dma_wait3A_53 : memref<1x128x64xf32, #tpu.memory_space<vmem>> -> memref<128x64xf32, #tpu.memory_space<vmem>>
    tpu.wait_dma2 semaphore(%dma_wait3A_47 : memref<!tpu.dma_semaphore, #tpu.memory_space<semaphore_mem>>) src(%dma_wait3A_54 : memref<128x64xf32, #tpu.memory_space<vmem>>) dst(%dma_wait3A_50 : memref<128x64xf32, #tpu.memory_space<hbm>>)
    %dma_wait3A_55 = arith.constant 1 : i32
    %dma_wait3A_56 = arith.constant 0 : i32
    %dma_wait3A_57 = arith.constant 1 : i32
    %dma_wait3A_58 = arith.constant 0 : i32
    %dma_wait3A_59 = arith.constant 0 : i32
    %dma_wait3A_60 = tpu.memref_slice %arg7[%dma_wait3A_55, %dma_wait3A_58, %dma_wait3A_59] : memref<2x128x64xf32, #tpu.memory_space<vmem>> -> memref<1x128x64xf32, #tpu.memory_space<vmem>>
    %dma_wait3A_61 = tpu.memref_squeeze %dma_wait3A_60 : memref<1x128x64xf32, #tpu.memory_space<vmem>> -> memref<128x64xf32, #tpu.memory_space<vmem>>
    %dma_wait3A_62 = arith.constant 0 : i32
    %dma_wait3A_63 = tpu.memref_slice %arg4[%mul3A_2, %dma_wait3A_56, %dma_wait3A_62] : memref<4096x200x64xf32, #tpu.memory_space<hbm>> -> memref<128x1x64xf32, #tpu.memory_space<hbm>>
    %dma_wait3A_64 = tpu.memref_squeeze %dma_wait3A_63 : memref<128x1x64xf32, #tpu.memory_space<hbm>> -> memref<128x64xf32, #tpu.memory_space<hbm>>
    %dma_wait3A_65 = tpu.memref_slice %arg9[%dma_wait3A_57] : memref<2x!tpu.dma_semaphore, #tpu.memory_space<semaphore_mem>> -> memref<1x!tpu.dma_semaphore, #tpu.memory_space<semaphore_mem>>
    %dma_wait3A_66 = tpu.memref_squeeze %dma_wait3A_65 : memref<1x!tpu.dma_semaphore, #tpu.memory_space<semaphore_mem>> -> memref<!tpu.dma_semaphore, #tpu.memory_space<semaphore_mem>>
    %dma_wait3A_67 = arith.constant 0 : i32
    %dma_wait3A_68 = tpu.memref_slice %arg4[%mul3A_2, %dma_wait3A_56, %dma_wait3A_67] : memref<4096x200x64xf32, #tpu.memory_space<hbm>> -> memref<128x1x64xf32, #tpu.memory_space<hbm>>
    %dma_wait3A_69 = tpu.memref_squeeze %dma_wait3A_68 : memref<128x1x64xf32, #tpu.memory_space<hbm>> -> memref<128x64xf32, #tpu.memory_space<hbm>>
    %dma_wait3A_70 = arith.constant 0 : i32
    %dma_wait3A_71 = arith.constant 0 : i32
    %dma_wait3A_72 = tpu.memref_slice %arg7[%dma_wait3A_55, %dma_wait3A_70, %dma_wait3A_71] : memref<2x128x64xf32, #tpu.memory_space<vmem>> -> memref<1x128x64xf32, #tpu.memory_space<vmem>>
    %dma_wait3A_73 = tpu.memref_squeeze %dma_wait3A_72 : memref<1x128x64xf32, #tpu.memory_space<vmem>> -> memref<128x64xf32, #tpu.memory_space<vmem>>
    tpu.wait_dma2 semaphore(%dma_wait3A_66 : memref<!tpu.dma_semaphore, #tpu.memory_space<semaphore_mem>>) src(%dma_wait3A_73 : memref<128x64xf32, #tpu.memory_space<vmem>>) dst(%dma_wait3A_69 : memref<128x64xf32, #tpu.memory_space<hbm>>)
    return
  }
}

</mosaic_0001>

<sc_bundles>
// kernel: kernel.3.cloned.1.call-start
scs
__scs_entry_jumppad:
0x0: {  	(pc) =	sbr.rel $0x88, $3  }
0x1: {  	(tag) =	ssettag $0x0;
	lr =	simm.s32 $0x1  }
0x2: {  	[smem:$0x3F9F] =	sst lr;
	_ =	strace $0xD0000000  }
0x3: {  	_ = 	snop  }
0x4: {  	_ = 	snop  }
0x5: {  	_ = 	snop  }
0x6: {  	_ = 	snop  }
0x7: {  	_ = 	snop  }
__scs_overlays_trampoline_lowered:
0x8: {  	[smem:$0x3FAE] =	sst s0  }
0x9: {  	[smem:$0x3FAF] =	sst s1  }
0xa: {  	[smem:$0x3FB0] =	sst s2  }
0xb: {  	[smem:$0x3FB1] =	sst s3  }
0xc: {  	[smem:$0x3FB2] =	sst s4  }
0xd: {  	[smem:$0x3FB3] =	sst s5  }
0xe: {  	[smem:$0x3FB4] =	sst s6  }
0xf: {  	[smem:$0x3FB5] =	sst s7  }
0x10: {  	[smem:$0x3FB6] =	sst s8  }
0x11: {  	[smem:$0x3FB7] =	sst s9;
	s0 =	simm.s32 @!p0 $0x0  }
0x12: {  	s1 =	sld [smem:$0x3F9D];
	s0 =	simm.s32 @p0 $0x1  }
0x13: {  	[smem:$0x3FB8] =	sst s0;
	s0 =	simm.s32 @!p1 $0x0  }
0x14: {  	s2 =	sld [smem:$0x3F9C];
	s0 =	simm.s32 @p1 $0x1  }
0x15: {  	[smem:$0x3FB9] =	sst s0;
	s0 =	simm.s32 @!p2 $0x0  }
0x16: {  	s3 =	sld [smem:$0x3FDB];
	s0 =	simm.s32 @p2 $0x1  }
0x17: {  	s4 =	simm.s32 $0x1BF5;
	[smem:$0x3FBB] =	sst s0  }
0x18: {  	s0 =	sld [smem:$0x3F9E];
	_ =	swait.ge [sflag:s4], $0x0  }
0x19: {  	s7 =	sld [smem:$0x3F9F]  }
0x1a: {  	s8 =	sadd.s32 $0xFFFFE003, lr  }
0x1b: {  	s9 =	sadd.s32 $0xFFFFFEF7, lr;
	s5 =	simm.s32 $0xFFFFFFFF;
	p2 =	slt.u32 s8, $0xFFFFF086  }
0x1c: {  	p1 =	slt.u32 s9, $0xF7A;
	s5 =	simm.s32 @!p2 $0x0  }
0x1d: {  	s5 =	simm.s32 @p1 $0x1;
	p0 =	seq.s32 s7, s2  }
0x1e: {  	s7 =	smul.u32 @!p0 $0xF7A, s2;
	p2 =	seq.s32 @!p0 s5, $0x0  }
0x1f: {  	s9 =	smul.u32 $0xF7A, s1;
	s8 =	simm.s32 @!p0 $0x1BF5;
	p2 =	por !p2, p0  }
0x20: {  	[sflag:s8] =	ssyncset.s32 @!p0 $0xFFFFF086;
	s6 =	sadd.s32 @!p0 s3, s7;
	s7 =	simm.s32 @!p0 $0x108  }
0x21: {  	s3 =	sadd.s32 s3, s9;
	s6 =	sadd.s32 @!p0 $0x88, s6;
	s7 =	simm.s32 @p2 $0x1082  }
0x22: {  	[simem:s7], [sflag:s8] =	dma.local @!p0 [hbm:s6], $0xF7A  }
0x23: {  	s9 =	sor.u32 $0xD0000000, s2;
	s6 =	simm.s32 $0x108;
	_ =	swait.ge @!p0 [sflag:s8], $0x0  }
0x24: {  	s3 =	sadd.s32 $0x88, s3;
	s6 =	simm.s32 @!p1 $0x1082;
	[sflag:s4] =	ssyncset.s32 $0xFFFFF086  }
0x25: {  	[simem:s6], [sflag:s4] =	dma.local [hbm:s3], $0xF7A  }
0x26: {  	[smem:$0x3F9F] =	sst s1;
	(tag) =	ssettag s2;
	_ =	strace s9  }
0x27: {  	s1 =	sld [smem:$0x3FAF]  }
0x28: {  	s2 =	sld [smem:$0x3FB0]  }
0x29: {  	s4 =	sld [smem:$0x3FB2]  }
0x2a: {  	p0 =	seq.s32 s5, $0x0;
	s5 =	sld [smem:$0x3FB3]  }
0x2b: {  	s6 =	sld [smem:$0x3FB4]  }
0x2c: {  	s7 =	sld [smem:$0x3FB5]  }
0x2d: {  	s3 =	simm.s32 $0x108;
	s8 =	sld [smem:$0x3FB6]  }
0x2e: {  	s3 =	simm.s32 @!p0 $0x1082;
	s9 =	sld [smem:$0x3FB7]  }
0x2f: {  	lr =	sadd.s32 s0, s3;
	s0 =	sld [smem:$0x3FAE]  }
0x30: {  	s3 =	sld [smem:$0x3FB1]  }
0x31: {  	[smem:$0x3FBA] =	sst s10  }
0x32: {  	s10 =	sld [smem:$0x3FB8];
	_ =	sdelay $0x3  }
0x33: {  	p0 =	seq.s32 s10, $0x1;
	s10 =	sld [smem:$0x3FBA];
	_ =	sdelay $0x3  }
0x34: {  	[smem:$0x3FBA] =	sst s10  }
0x35: {  	s10 =	sld [smem:$0x3FB9];
	_ =	sdelay $0x3  }
0x36: {  	p1 =	seq.s32 s10, $0x1;
	s10 =	sld [smem:$0x3FBA];
	_ =	sdelay $0x3  }
0x37: {  	[smem:$0x3FBA] =	sst s10  }
0x38: {  	s10 =	sld [smem:$0x3FBB]  }
0x39: {  	_ = 	snop;
	(pc) =	sbr.ind lr, $3  }
0x3a: {  	_ = 	snop  }
0x3b: {  	_ = 	snop  }
0x3c: {  	p2 =	seq.s32 s10, $0x1;
	s10 =	sld [smem:$0x3FBA]  }
0x3d: {  	_ =	shalt  }
0x3e: {  	_ =	shalt  }
0x3f: {  	_ =	shalt  }
0x40: {  	_ =	shalt  }
0x41: {  	_ =	shalt  }
0x42: {  	_ =	shalt  }
0x43: {  	_ =	shalt  }
0x44: {  	_ =	shalt  }
0x45: {  	_ =	shalt  }
0x46: {  	_ =	shalt  }
0x47: {  	_ =	shalt  }
0x48: {  	_ =	shalt  }
0x49: {  	_ =	shalt  }
0x4a: {  	_ =	shalt  }
0x4b: {  	_ =	shalt  }
0x4c: {  	_ =	shalt  }
0x4d: {  	_ =	shalt  }
0x4e: {  	_ =	shalt  }
0x4f: {  	_ =	shalt  }
0x50: {  	_ =	shalt  }
0x51: {  	_ =	shalt  }
0x52: {  	_ =	shalt  }
0x53: {  	_ =	shalt  }
0x54: {  	_ =	shalt  }
0x55: {  	_ =	shalt  }
0x56: {  	_ =	shalt  }
0x57: {  	_ =	shalt  }
0x58: {  	_ =	shalt  }
0x59: {  	_ =	shalt  }
0x5a: {  	_ =	shalt  }
0x5b: {  	_ =	shalt  }
0x5c: {  	_ =	shalt  }
0x5d: {  	_ =	shalt  }
0x5e: {  	_ =	shalt  }
0x5f: {  	_ =	shalt  }
0x60: {  	_ =	shalt  }
0x61: {  	_ =	shalt  }
0x62: {  	_ =	shalt  }
0x63: {  	_ =	shalt  }
0x64: {  	_ =	shalt  }
0x65: {  	_ =	shalt  }
0x66: {  	_ =	shalt  }
0x67: {  	_ =	shalt  }
0x68: {  	_ =	shalt  }
0x69: {  	_ =	shalt  }
0x6a: {  	_ =	shalt  }
0x6b: {  	_ =	shalt  }
0x6c: {  	_ =	shalt  }
0x6d: {  	_ =	shalt  }
0x6e: {  	_ =	shalt  }
0x6f: {  	_ =	shalt  }
0x70: {  	_ =	shalt  }
0x71: {  	_ =	shalt  }
0x72: {  	_ =	shalt  }
0x73: {  	_ =	shalt  }
0x74: {  	_ =	shalt  }
0x75: {  	_ =	shalt  }
0x76: {  	_ =	shalt  }
0x77: {  	_ =	shalt  }
0x78: {  	_ =	shalt  }
0x79: {  	_ =	shalt  }
0x7a: {  	_ =	shalt  }
0x7b: {  	_ =	shalt  }
0x7c: {  	_ =	shalt  }
0x7d: {  	_ =	shalt  }
0x7e: {  	_ =	shalt  }
0x7f: {  	_ =	shalt  }
0x80: {  	_ =	shalt  }
0x81: {  	_ =	shalt  }
0x82: {  	_ =	shalt  }
0x83: {  	_ =	shalt  }
0x84: {  	_ =	shalt  }
0x85: {  	_ =	shalt  }
0x86: {  	_ =	shalt  }
0x87: {  	_ =	shalt  }
.Lfunc_end0:
.L_simem_size_0:
called_computation_lowered:
.L_overlay_start_0:
0x88: {  	s2 =	sld [smem:$0x3FD9]  }
0x89: {  	s3 =	sld [smem:$0x3FFE];
	_ =	sdelay $0x1  }
0x8a: {  	s1 =	srdreg.scid  }
0x8b: {  	s0 =	sand.u32 $0x1, s1  }
0x8c: {  	s17 =	sshll.u32 s0, $0xA;
	s2 =	sadd.s32 s3, s2  }
0x8d: {  	s2 =	sadd.s32 s2, s17  }
0x8e: {  	[smem:$0x3FC6] =	sst s2  }
0x8f: {  	_ = 	snop  }
0x90: {  	s2 =	sld [smem:$0x3FC9];
	(tm) =	ssettm $0x1  }
0x91: {  	s18 =	sld [smem:$0x3FFB];
	_ =	sdelay $0x3  }
0x92: {  	_ =	strace s18  }
0x93: {  	s3 =	sld [smem:$0x3FFC];
	_ =	sdelay $0x3  }
0x94: {  	_ =	strace s3  }
0x95: {  	s3 =	sld [smem:$0x3FFD];
	_ =	sdelay $0x3  }
0x96: {  	_ =	strace s3  }
0x97: {  	_ =	strace $0x8FFFFFFF  }
0x98: {  	s19 =	sld [smem:$0x3FDB];
	_ =	sdelay $0x1  }
0x99: {  	s4 =	simm.s32 $_scs_section_size  }
0x9a: {  	s5 =	simm.s32 $_size__tile_overlayer_lowered;
	s6 =	simm.s32 $_tile_overlayer_lowered  }
0x9b: {  	s22 =	simm.s32 $0x1BFF;
	s21 =	sshll.u32 s6, $0x1;
	s3 =	sadd.s32 s4, s19  }
0x9c: {  	s7 =	simm.s32 $0x0;
	s20 =	sshll.u32 s5, $0x1;
	s5 =	sadd.s32 s21, s3  }
0x9d: {  	[timem:s7], [sflag:s22] =	dma.local [hbm:s5], s20  }
0x9e: {  	_ =	swait.ge [sflag:s22], s20  }
0x9f: {  	s4 =	ssub.s32 $0x0, s20;
	[sflag:s22] =	ssyncset.done $0x0  }
0xa0: {  	[sflag:s22] =	ssyncadd.s32 s4;
	_ =	sdelay $0x1  }
0xa1: {  	s23 =	simm.s32 $0x1B8B  }
0xa2: {  	_ =	swait.ge [sflag:s23], $0x1  }
0xa3: {  	[sflag:s23] =	ssyncset.done $0x0  }
0xa4: {  	s25 =	simm.s32 $0x1B8E;
	s24 =	sld [smem:$0x3FFE];
	[sflag:s23] =	ssyncadd.s32 $0xFFFFFFFF  }
0xa5: {  	s26 =	simm.s32 $execute0_lowered;
	[smem:$0x3FD2] =	sst s25  }
0xa6: {  	s5 =	sshll.u32 s26, $0x1;
	_ =	strace $0x80000046;
	[dreg:$0x1] =	wrdreg $0xFFFFFFFF  }
0xa7: {  	s28 =	simm.s32 $_size_execute0_lowered;
	s3 =	sadd.s32 s3, s5;
	[dreg:$0x0] =	wrdreg $0x0  }
0xa8: {  	s5 =	sshll.u32 s28, $0x1;
	[dreg:$0x2] =	wrdreg s3  }
0xa9: {  	[dreg:$0x3] =	wrdreg s5  }
0xaa: {  	[dreg:$0x4] =	wrdreg $0xC0  }
0xab: {  	_ =	task [dreg:s7], $0x5FFFF  }
0xac: {  	[dreg:$0x1] =	wrdreg $0xFFFFFFFF  }
0xad: {  	[dreg:$0x0] =	wrdreg $0x60  }
0xae: {  	[dreg:$0x2] =	wrdreg s24  }
0xaf: {  	[dreg:$0x3] =	wrdreg s2  }
0xb0: {  	[dreg:$0x4] =	wrdreg $0x9  }
0xb1: {  	_ =	task.clear_ibuf [dreg:s7], $0x5FFFF;
	_ =	strace $0x90000046  }
0xb2: {  	s29 =	simm.s32 $0x9;
	_ =	strace $0x80000048  }
0xb3: {  	_ =	swait.ge [sflag:s29], $0x1  }
0xb4: {  	[sflag:s29] =	ssyncadd.s32 $0xFFFFFFFF  }
0xb5: {  	_ =	strace $0x90000048  }
0xb6: {  	_ =	sfence  }
0xb7: {  	s30 =	sld [smem:$0x0];
	_ =	sdelay $0x2  }
0xb8: {  	s31 =	sshll.u32 s1, $0xD;
	s1 =	sshrl.u32 s1, $0x2  }
0xb9: {  	s3 =	sand.u32 $0x4000, s31;
	s1 =	sadd.s32 s1, s30  }
0xba: {  	s0 =	sor.u32 s3, s0;
	s1 =	sshll.u32 s1, $0x11  }
0xbb: {  	s0 =	sor.u32 s1, s0  }
0xbc: {  	s0 =	sadd.s32 $0x8F2B, s0  }
0xbd: {  	[sflag:s0] =	ssyncadd.remote.s32 $0x1  }
0xbe: {  	_ =	sfence.sel $0xFFFF  }
0xbf: {  	[dreg:$0x0] =	wrdreg $0xFFFFFFFF;
	(pc) =	sbr.abs _section_cstart, $3  }
0xc0: {  	[dreg:$0x1] =	wrdreg $0xFFFFFFFF  }
0xc1: {  	_ =	task.clear_ibuf [dreg:s7], $0x2FFFF;
	_ =	strace $0x9FFFFFFF  }
0xc2: {  	(tm) =	ssettm $0x7FFFFFFF  }
0xc3: {  	_ =	shalt  }
tec
execute0_lowered:
.L_overlay_start_1:
0x0: {  	(tag) =	ssettag $0x1  }
0x1: {  	s7 =	rddreg [dreg:$0x0]  }
0x2: {  	s5 =	rddreg [dreg:$0x1]  }
0x3: {  	s0 =	rddreg [dreg:$0x2];
	s2 =	simm.s32 $0x0;
	s3 =	srdreg.scid  }
0x4: {  	s1 =	stileid.u32;
	s11 =	simm.s32 $0x5;
	s12 =	simm.s32 $0x80  }
0x5: {  	s13 =	simm.s32 $0x6400;
	s14 =	simm.s32 $0xA400;
	s15 =	simm.s32 $0x1  }
0x6: {  	s16 =	simm.s32 $0xE400;
	s17 =	simm.s32 $0x2;
	s18 =	simm.s32 $0x4  }
0x7: {  	s19 =	simm.s32 $0x12400;
	s20 =	simm.s32 $0x3;
	s21 =	simm.s32 $0x0  }
0x8: {  	[smem:$0x7FF] =	sst s2;
	s4 =	sand.u32 $0x1, s3;
	s3 =	sadd.s32 $0xF42800, s7  }
.Ltmp0:
0x9: {  	s6 =	sshll.u32 s1, $0x1;
	_ =	strace $0x80000047;
	(pc) =	sbr.rel .LBB2_1-.Ltmp0, $4  }
0xa: {  	s8 =	ssub.s32 $0x2, s4;
	s6 =	sor.u32 s4, s6;
	s4 =	sadd.s32 $0x400, s7  }
0xb: {  	s7 =	sadd.s32 $0x410, s7;
	s9 =	sshrl.u32 s8, $0x1;
	s10 =	sshll.u32 s6, $0x7  }
0xc: {  	s6 =	smul.u32 $0x320000, s6;
	s8 =	ssub.s32 s8, s9;
	s5 =	sadd.s32 s5, s10  }
0xd: {  	s9 =	simm.s32 $0x400;
	s10 =	simm.s32 $0x8000;
	s8 =	smax.u32 s8, $0x1  }
.LBB2_12:
0xe: {  	s21 =	sadd.s32 $0x1, s21  }
0xf: {  	_ =	swait.ge [sflag:s20], $0x4000;
	p0 =	sne.s32 s21, s8  }
.Ltmp1:
0x10: {  	[sflag:s20] =	ssyncset.done $0x0;
	(pc) =	sbr.rel @!p0 .LBB2_13-.Ltmp1, $4  }
0x11: {  	[sflag:s20] =	ssyncadd.s32 $0xFFFFC000  }
0x12: {  	_ =	swait.ge [sflag:s18], $0x4000  }
0x13: {  	[sflag:s18] =	ssyncset.done $0x0  }
0x14: {  	[sflag:s18] =	ssyncadd.s32 $0xFFFFC000  }
.LBB2_1:
0x15: {  	[tilespmem:s2], [sflag:$0x5] =	stream.strided.gather [hbm4b:s5+s9], $0x6400, s10, s9, $0x38;
	[tilespmem:$0x16400] =	vst v63  }
0x16: {  	_ =	swait.ge [sflag:s11], $0x6400  }
0x17: {  	[sflag:s11] =	ssyncset.done $0x0  }
0x18: {  	[sflag:s11] =	ssyncadd.s32 $0xFFFF9C00  }
0x19: {  	[tilespmem:s13], [sflag:$0x1] =	stream.indirect.gather [hbm4b:s3+s12], $0x80, s2, s12, $0xb8;
	[tilespmem:$0x16400] =	vst v63  }
0x1a: {  	s22 =	simm.s32 $0x0  }
0x1b: {  	[tilespmem:s14], [sflag:$0x2] =	stream.indirect.gather [hbm4b:s3+s12], $0x80, s12, s12, $0xb8;
	[tilespmem:$0x16400] =	vst v63  }
.LBB2_2:
0x1c: {  	_ =	swait.ge [sflag:s15], $0x4000  }
0x1d: {  	p0 =	seq.s32 s22, $0x0;
	[sflag:s15] =	ssyncset.done $0x0  }
0x1e: {  	s23 =	simm.s32 @!p0 $0x3;
	[sflag:s15] =	ssyncadd.s32 $0xFFFFC000  }
0x1f: {  	_ =	swait.ge @!p0 [sflag:s23], $0x4000  }
0x20: {  	[sflag:s23] =	ssyncset.done @!p0 $0x0  }
0x21: {  	s24 =	simm.s32 $0x6500;
	[sflag:s23] =	ssyncadd.s32 @!p0 $0xFFFFC000  }
0x22: {  	v0 =	vld [tilespmem:s24+$0xFFFFFF00];
	_ =	sdelay $0x4  }
0x23: {  	v0 =	vmul.f32 $8.000000000e+00, v0  }
0x24: {  	s23 =	simm.s32 $0xE500  }
0x25: {  	[tilespmem:s23+$0xFFFFFF00] =	vst v0  }
0x26: {  	v0 =	vld [tilespmem:s24+$0xFFFFFF10];
	_ =	sdelay $0x4  }
0x27: {  	v0 =	vmul.f32 $8.000000000e+00, v0;
	_ =	sdelay $0x1  }
0x28: {  	[tilespmem:s23+$0xFFFFFF10] =	vst v0  }
0x29: {  	v0 =	vld [tilespmem:s24+$0xFFFFFF20];
	_ =	sdelay $0x4  }
0x2a: {  	v0 =	vmul.f32 $8.000000000e+00, v0;
	_ =	sdelay $0x1  }
0x2b: {  	[tilespmem:s23+$0xFFFFFF20] =	vst v0  }
0x2c: {  	v0 =	vld [tilespmem:s24+$0xFFFFFF30];
	_ =	sdelay $0x4  }
0x2d: {  	v0 =	vmul.f32 $8.000000000e+00, v0;
	_ =	sdelay $0x1  }
0x2e: {  	[tilespmem:s23+$0xFFFFFF30] =	vst v0  }
0x2f: {  	v0 =	vld [tilespmem:s24+$0xFFFFFF80];
	_ =	sdelay $0x4  }
0x30: {  	v0 =	vmul.f32 $8.000000000e+00, v0;
	_ =	sdelay $0x1  }
0x31: {  	[tilespmem:s23+$0xFFFFFF80] =	vst v0  }
0x32: {  	v0 =	vld [tilespmem:s24+$0xFFFFFF90];
	_ =	sdelay $0x4  }
0x33: {  	v0 =	vmul.f32 $8.000000000e+00, v0;
	_ =	sdelay $0x1  }
0x34: {  	[tilespmem:s23+$0xFFFFFF90] =	vst v0  }
0x35: {  	v0 =	vld [tilespmem:s24+$0xFFFFFFA0];
	_ =	sdelay $0x4  }
0x36: {  	v0 =	vmul.f32 $8.000000000e+00, v0;
	_ =	sdelay $0x1  }
0x37: {  	[tilespmem:s23+$0xFFFFFFA0] =	vst v0  }
0x38: {  	v0 =	vld [tilespmem:s24+$0xFFFFFFB0];
	_ =	sdelay $0x4  }
0x39: {  	v0 =	vmul.f32 $8.000000000e+00, v0;
	_ =	sdelay $0x1  }
0x3a: {  	[tilespmem:s23+$0xFFFFFFB0] =	vst v0  }
0x3b: {  	v0 =	vld [tilespmem:s24+$0x0];
	_ =	sdelay $0x4  }
0x3c: {  	v0 =	vmul.f32 $8.000000000e+00, v0;
	_ =	sdelay $0x1  }
0x3d: {  	[tilespmem:s23+$0x0] =	vst v0  }
0x3e: {  	v0 =	vld [tilespmem:s24+$0x10];
	_ =	sdelay $0x4  }
0x3f: {  	v0 =	vmul.f32 $8.000000000e+00, v0;
	_ =	sdelay $0x1  }
0x40: {  	[tilespmem:s23+$0x10] =	vst v0  }
0x41: {  	v0 =	vld [tilespmem:s24+$0x20];
	_ =	sdelay $0x4  }
0x42: {  	v0 =	vmul.f32 $8.000000000e+00, v0;
	_ =	sdelay $0x1  }
0x43: {  	[tilespmem:s23+$0x20] =	vst v0  }
0x44: {  	v0 =	vld [tilespmem:s24+$0x30];
	_ =	sdelay $0x4  }
0x45: {  	v0 =	vmul.f32 $8.000000000e+00, v0;
	_ =	sdelay $0x1  }
0x46: {  	[tilespmem:s23+$0x30] =	vst v0  }
0x47: {  	v0 =	vld [tilespmem:s24+$0x80];
	_ =	sdelay $0x4  }
0x48: {  	v0 =	vmul.f32 $8.000000000e+00, v0;
	_ =	sdelay $0x1  }
0x49: {  	[tilespmem:s23+$0x80] =	vst v0  }
0x4a: {  	v0 =	vld [tilespmem:s24+$0x90];
	_ =	sdelay $0x4  }
0x4b: {  	v0 =	vmul.f32 $8.000000000e+00, v0;
	_ =	sdelay $0x1  }
0x4c: {  	[tilespmem:s23+$0x90] =	vst v0  }
0x4d: {  	v0 =	vld [tilespmem:s24+$0xA0];
	_ =	sdelay $0x4  }
0x4e: {  	v0 =	vmul.f32 $8.000000000e+00, v0;
	_ =	sdelay $0x1  }
0x4f: {  	[tilespmem:s23+$0xA0] =	vst v0  }
0x50: {  	v0 =	vld [tilespmem:s24+$0xB0];
	_ =	sdelay $0x4  }
0x51: {  	v0 =	vmul.f32 $8.000000000e+00, v0;
	_ =	sdelay $0x1  }
0x52: {  	s25 =	simm.s32 $0x6700;
	s24 =	simm.s32 $0x0;
	[tilespmem:s23+$0xB0] =	vst v0  }
.LBB2_3:
0x53: {  	v0 =	vld [tilespmem:s25+$0xFFFFFF00];
	s24 =	sadd.s32 $0x4, s24  }
0x54: {  	p1 =	slt.u32 s24, $0x7C;
	_ =	sdelay $0x3  }
0x55: {  	v0 =	vmul.f32 $8.000000000e+00, v0  }
0x56: {  	s23 =	sadd.s32 $0x200, s23  }
0x57: {  	[tilespmem:s23+$0xFFFFFF00] =	vst v0  }
0x58: {  	v0 =	vld [tilespmem:s25+$0xFFFFFF10];
	_ =	sdelay $0x4  }
0x59: {  	v0 =	vmul.f32 $8.000000000e+00, v0;
	_ =	sdelay $0x1  }
0x5a: {  	[tilespmem:s23+$0xFFFFFF10] =	vst v0  }
0x5b: {  	v0 =	vld [tilespmem:s25+$0xFFFFFF20];
	_ =	sdelay $0x4  }
0x5c: {  	v0 =	vmul.f32 $8.000000000e+00, v0;
	_ =	sdelay $0x1  }
0x5d: {  	[tilespmem:s23+$0xFFFFFF20] =	vst v0  }
0x5e: {  	v0 =	vld [tilespmem:s25+$0xFFFFFF30];
	_ =	sdelay $0x4  }
0x5f: {  	v0 =	vmul.f32 $8.000000000e+00, v0;
	_ =	sdelay $0x1  }
0x60: {  	[tilespmem:s23+$0xFFFFFF30] =	vst v0  }
0x61: {  	v0 =	vld [tilespmem:s25+$0xFFFFFF80];
	_ =	sdelay $0x4  }
0x62: {  	v0 =	vmul.f32 $8.000000000e+00, v0;
	_ =	sdelay $0x1  }
0x63: {  	[tilespmem:s23+$0xFFFFFF80] =	vst v0  }
0x64: {  	v0 =	vld [tilespmem:s25+$0xFFFFFF90];
	_ =	sdelay $0x4  }
0x65: {  	v0 =	vmul.f32 $8.000000000e+00, v0;
	_ =	sdelay $0x1  }
0x66: {  	[tilespmem:s23+$0xFFFFFF90] =	vst v0  }
0x67: {  	v0 =	vld [tilespmem:s25+$0xFFFFFFA0];
	_ =	sdelay $0x4  }
0x68: {  	v0 =	vmul.f32 $8.000000000e+00, v0;
	_ =	sdelay $0x1  }
0x69: {  	[tilespmem:s23+$0xFFFFFFA0] =	vst v0  }
0x6a: {  	v0 =	vld [tilespmem:s25+$0xFFFFFFB0];
	_ =	sdelay $0x4  }
0x6b: {  	v0 =	vmul.f32 $8.000000000e+00, v0;
	_ =	sdelay $0x1  }
0x6c: {  	[tilespmem:s23+$0xFFFFFFB0] =	vst v0  }
0x6d: {  	v0 =	vld [tilespmem:s25+$0x0];
	_ =	sdelay $0x4  }
0x6e: {  	v0 =	vmul.f32 $8.000000000e+00, v0;
	_ =	sdelay $0x1  }
0x6f: {  	[tilespmem:s23+$0x0] =	vst v0  }
0x70: {  	v0 =	vld [tilespmem:s25+$0x10];
	_ =	sdelay $0x4  }
0x71: {  	v0 =	vmul.f32 $8.000000000e+00, v0;
	_ =	sdelay $0x1  }
0x72: {  	[tilespmem:s23+$0x10] =	vst v0  }
0x73: {  	v0 =	vld [tilespmem:s25+$0x20];
	_ =	sdelay $0x4  }
0x74: {  	v0 =	vmul.f32 $8.000000000e+00, v0;
	_ =	sdelay $0x1  }
0x75: {  	[tilespmem:s23+$0x20] =	vst v0  }
0x76: {  	v0 =	vld [tilespmem:s25+$0x30];
	_ =	sdelay $0x4  }
0x77: {  	v0 =	vmul.f32 $8.000000000e+00, v0;
	_ =	sdelay $0x1  }
0x78: {  	[tilespmem:s23+$0x30] =	vst v0  }
0x79: {  	v0 =	vld [tilespmem:s25+$0x80];
	_ =	sdelay $0x4  }
0x7a: {  	v0 =	vmul.f32 $8.000000000e+00, v0;
	_ =	sdelay $0x1  }
0x7b: {  	[tilespmem:s23+$0x80] =	vst v0  }
0x7c: {  	v0 =	vld [tilespmem:s25+$0x90];
	_ =	sdelay $0x4  }
0x7d: {  	v0 =	vmul.f32 $8.000000000e+00, v0;
	_ =	sdelay $0x1  }
0x7e: {  	[tilespmem:s23+$0x90] =	vst v0  }
0x7f: {  	v0 =	vld [tilespmem:s25+$0xA0];
	_ =	sdelay $0x4  }
0x80: {  	v0 =	vmul.f32 $8.000000000e+00, v0;
	_ =	sdelay $0x1  }
0x81: {  	[tilespmem:s23+$0xA0] =	vst v0  }
0x82: {  	v0 =	vld [tilespmem:s25+$0xB0];
	_ =	sdelay $0x2  }
.Ltmp2:
0x83: {  	(pc) =	sbr.rel @p1 .LBB2_3-.Ltmp2, $3  }
0x84: {  	_ = 	snop  }
0x85: {  	v0 =	vmul.f32 $8.000000000e+00, v0;
	_ =	sdelay $0x1  }
0x86: {  	s25 =	sadd.s32 $0x200, s25;
	[tilespmem:s23+$0xB0] =	vst v0  }
0x87: {  	p1 =	sne.s32 s22, $0x63  }
.Ltmp3:
0x88: {  	s23 =	sshll.u32 s22, $0x8;
	(pc) =	sbr.rel @p1 .LBB2_6-.Ltmp3, $4  }
0x89: {  	s24 =	sor.u32 s6, s23  }
0x8a: {  	s24 =	sshrl.u32 s24, $0x3  }
0x8b: {  	s25 =	sadd.s32 s4, s24  }
0x8c: {  	[hbm4b:s25+s12] =	stream.strided.scatter [tilespmem:s16], [sflag:$0x3], $0x4000, s13, s12, $0x38;
	[tilespmem:$0x16400] =	vst v63  }
.Ltmp4:
0x8d: {  	(pc) =	sbr.rel .LBB2_7-.Ltmp4, $4  }
0x8e: {  	_ = 	snop  }
0x8f: {  	_ =	swait.ge [sflag:s17], $0x4000  }
0x90: {  	[sflag:s17] =	ssyncset.done $0x0  }
0x91: {  	[sflag:s17] =	ssyncadd.s32 $0xFFFFC000  }
.LBB2_6:
0x92: {  	s25 =	sand.u32 $0x3FFFFF00, s23  }
.Ltmp5:
0x93: {  	s25 =	sadd.s32 $0x100, s25;
	(pc) =	sbr.rel @p0 .LBB2_8-.Ltmp5, $4  }
0x94: {  	[tilespmem:s13], [sflag:$0x1] =	stream.indirect.gather [hbm4b:s3+s12], $0x80, s25, s12, $0xb8;
	[tilespmem:$0x16400] =	vst v63  }
0x95: {  	_ =	swait.ge [sflag:s17], $0x4000  }
0x96: {  	[sflag:s17] =	ssyncset.done $0x0  }
0x97: {  	[sflag:s17] =	ssyncadd.s32 $0xFFFFC000  }
.LBB2_7:
0x98: {  	_ =	swait.ge [sflag:s18], $0x4000  }
0x99: {  	[sflag:s18] =	ssyncset.done $0x0  }
0x9a: {  	[sflag:s18] =	ssyncadd.s32 $0xFFFFC000  }
.LBB2_8:
0x9b: {  	s25 =	simm.s32 $0x0  }
0x9c: {  	v0 =	vld [tilespmem:s25+$0xA5B0]  }
0x9d: {  	v1 =	vld [tilespmem:s25+$0xA400]  }
0x9e: {  	v2 =	vld [tilespmem:s25+$0xA410]  }
0x9f: {  	v3 =	vld [tilespmem:s25+$0xA420]  }
0xa0: {  	v4 =	vld [tilespmem:s25+$0xA430]  }
0xa1: {  	v5 =	vld [tilespmem:s25+$0xA480];
	v0 =	vmul.f32 $8.000000000e+00, v0  }
0xa2: {  	v6 =	vld [tilespmem:s25+$0xA490];
	v1 =	vmul.f32 $8.000000000e+00, v1  }
0xa3: {  	v7 =	vld [tilespmem:s25+$0xA4A0];
	[tilespmem:s25+$0x125B0] =	vst v0;
	v0 =	vmul.f32 $8.000000000e+00, v2  }
0xa4: {  	v8 =	vld [tilespmem:s25+$0xA4B0];
	[tilespmem:s25+$0x12400] =	vst v1;
	v1 =	vmul.f32 $8.000000000e+00, v3  }
0xa5: {  	v9 =	vld [tilespmem:s25+$0xA500];
	[tilespmem:s25+$0x12410] =	vst v0;
	v0 =	vmul.f32 $8.000000000e+00, v4  }
0xa6: {  	v2 =	vld [tilespmem:s25+$0xA510];
	[tilespmem:s25+$0x12420] =	vst v1;
	v1 =	vmul.f32 $8.000000000e+00, v5  }
0xa7: {  	v3 =	vmul.f32 $8.000000000e+00, v6;
	[tilespmem:s25+$0x12430] =	vst v0;
	v0 =	vld [tilespmem:s25+$0xA520]  }
0xa8: {  	v4 =	vmul.f32 $8.000000000e+00, v7;
	[tilespmem:s25+$0x12480] =	vst v1;
	v1 =	vld [tilespmem:s25+$0xA530]  }
0xa9: {  	v6 =	vmul.f32 $8.000000000e+00, v8;
	[tilespmem:s25+$0x12490] =	vst v3;
	v3 =	vld [tilespmem:s25+$0xA580]  }
0xaa: {  	s26 =	simm.s32 $0x0;
	s28 =	simm.s32 $0x800;
	v5 =	vmul.f32 $8.000000000e+00, v9;
	[tilespmem:s25+$0x124A0] =	vst v4;
	v4 =	vld [tilespmem:s25+$0xA590]  }
.LBB2_9:
0xab: {  	s29 =	sshra.s32 s28, $0x2;
	s26 =	sadd.s32 $0x4, s26;
	[tilespmem:s25+$0x124B0] =	vst v6;
	v2 =	vmul.f32 $8.000000000e+00, v2;
	v6 =	vld [tilespmem:s25+$0xA5A0]  }
0xac: {  	v7 =	vld [tilespmem:s29+$0xA5B0];
	p0 =	slt.u32 s26, $0x7C;
	[tilespmem:s25+$0x12500] =	vst v5;
	v0 =	vmul.f32 $8.000000000e+00, v0  }
0xad: {  	v5 =	vld [tilespmem:s29+$0xA400];
	[tilespmem:s25+$0x12510] =	vst v2;
	v1 =	vmul.f32 $8.000000000e+00, v1  }
0xae: {  	v2 =	vld [tilespmem:s29+$0xA410];
	[tilespmem:s25+$0x12520] =	vst v0;
	v0 =	vmul.f32 $8.000000000e+00, v3  }
0xaf: {  	v3 =	vld [tilespmem:s29+$0xA420];
	[tilespmem:s25+$0x12530] =	vst v1;
	v1 =	vmul.f32 $8.000000000e+00, v4  }
0xb0: {  	v4 =	vld [tilespmem:s29+$0xA430];
	[tilespmem:s25+$0x12580] =	vst v0;
	v0 =	vmul.f32 $8.000000000e+00, v6  }
0xb1: {  	v6 =	vld [tilespmem:s29+$0xA480];
	v7 =	vmul.f32 $8.000000000e+00, v7;
	[tilespmem:s25+$0x12590] =	vst v1  }
0xb2: {  	v1 =	vmul.f32 $8.000000000e+00, v5;
	v5 =	vld [tilespmem:s29+$0xA490];
	[tilespmem:s25+$0x125A0] =	vst v0;
	s25 =	smov.u32 s29  }
0xb3: {  	v0 =	vmul.f32 $8.000000000e+00, v2;
	v8 =	vld [tilespmem:s25+$0xA4A0];
	[tilespmem:s25+$0x125B0] =	vst v7  }
0xb4: {  	[tilespmem:s25+$0x12400] =	vst v1;
	v1 =	vmul.f32 $8.000000000e+00, v3;
	v3 =	vld [tilespmem:s25+$0xA4B0]  }
0xb5: {  	[tilespmem:s25+$0x12410] =	vst v0;
	v0 =	vmul.f32 $8.000000000e+00, v4;
	v4 =	vld [tilespmem:s25+$0xA500]  }
.Ltmp6:
0xb6: {  	[tilespmem:s25+$0x12420] =	vst v1;
	v1 =	vmul.f32 $8.000000000e+00, v6;
	v2 =	vld [tilespmem:s25+$0xA510];
	(pc) =	sbr.rel @p0 .LBB2_9-.Ltmp6, $4  }
0xb7: {  	[tilespmem:s25+$0x12430] =	vst v0;
	v5 =	vmul.f32 $8.000000000e+00, v5;
	v0 =	vld [tilespmem:s25+$0xA520]  }
0xb8: {  	[tilespmem:s25+$0x12480] =	vst v1;
	v7 =	vmul.f32 $8.000000000e+00, v8;
	v1 =	vld [tilespmem:s25+$0xA530]  }
0xb9: {  	[tilespmem:s25+$0x12490] =	vst v5;
	v6 =	vmul.f32 $8.000000000e+00, v3;
	v3 =	vld [tilespmem:s25+$0xA580]  }
0xba: {  	s28 =	sadd.s32 $0x800, s28;
	[tilespmem:s25+$0x124A0] =	vst v7;
	v5 =	vmul.f32 $8.000000000e+00, v4;
	v4 =	vld [tilespmem:s25+$0xA590]  }
0xbb: {  	[tilespmem:s25+$0x124B0] =	vst v6;
	v2 =	vmul.f32 $8.000000000e+00, v2;
	v60 =	vld [tilespmem:s25+$0xA5A0]  }
0xbc: {  	[tilespmem:s25+$0x12500] =	vst v5;
	v0 =	vmul.f32 $8.000000000e+00, v0  }
0xbd: {  	[tilespmem:s25+$0x12510] =	vst v2;
	v1 =	vmul.f32 $8.000000000e+00, v1  }
0xbe: {  	p0 =	seq.s32 s22, $0x63;
	[tilespmem:s25+$0x12520] =	vst v0;
	v61 =	vmul.f32 $8.000000000e+00, v3  }
.Ltmp7:
0xbf: {  	[tilespmem:s25+$0x12530] =	vst v1;
	v62 =	vmul.f32 $8.000000000e+00, v4;
	(pc) =	sbr.rel @p0 .LBB2_12-.Ltmp7, $4  }
0xc0: {  	[tilespmem:s25+$0x12580] =	vst v61;
	v63 =	vmul.f32 $8.000000000e+00, v60  }
0xc1: {  	[tilespmem:s25+$0x12590] =	vst v62  }
0xc2: {  	s24 =	sadd.s32 s24, s7;
	[tilespmem:s25+$0x125A0] =	vst v63  }
0xc3: {  	[hbm4b:s24+s12] =	stream.strided.scatter [tilespmem:s19], [sflag:$0x4], $0x4000, s13, s12, $0x38;
	[tilespmem:$0x16400] =	vst v63  }
.Ltmp8:
0xc4: {  	(pc) =	sbr.rel .LBB2_2-.Ltmp8, $4  }
0xc5: {  	_ = 	snop  }
0xc6: {  	s23 =	sand.u32 $0x3FFFFF00, s23  }
0xc7: {  	s22 =	sadd.s32 $0x1, s22;
	s23 =	sadd.s32 $0x180, s23  }
0xc8: {  	[tilespmem:s14], [sflag:$0x2] =	stream.indirect.gather [hbm4b:s3+s12], $0x80, s23, s12, $0xb8;
	[tilespmem:$0x16400] =	vst v63  }
.LBB2_13:
0xc9: {  	_ =	sfence.sel $0x180000  }
0xca: {  	[bflag:$0x0] =	sbarrier.arrive $0xFFFF  }
0xcb: {  	p0 =	sne.s32 s1, $0x0;
	_ =	strace $0x90000047  }
0xcc: {  	s0 =	sadd.s32 @!p0 $0x100000, s0;
	[bflag:$0x2] =	sbarrier.arrive $0xFFFF  }
0xcd: {  	[sflag:s0] =	ssyncadd.tile.s32 @!p0 $0x1;
	_ =	shalt  }
.Lfunc_end2:
_tile_overlayer_lowered:
.L_overlay_start_2:
0xce: {  	(tag) =	ssettag $0x2  }
0xcf: {  	s0 =	rddreg [dreg:$0x0];
	s2 =	stileid.u32  }
0xd0: {  	s1 =	rddreg [dreg:$0x1];
	p0 =	sne.s32 s2, $0x0  }
0xd1: {  	s3 =	rddreg [dreg:$0x2];
	[bflag:$0x3] =	sbarrier.arrive $0xFFFF;
	s2 =	simm.s32 @!p0 $0x1C05  }
0xd2: {  	[timem:s3], [sflag:s2] =	dma.local @!p0 [hbm:s0], s1  }
0xd3: {  	s0 =	simm.s32 @!p0 $0x5  }
0xd4: {  	_ =	swait.ge @!p0 [sflag:s0], s1  }
0xd5: {  	s1 =	ssub.s32 @!p0 $0x0, s1;
	[sflag:s0] =	ssyncset.done @!p0 $0x0  }
0xd6: {  	[sflag:s0] =	ssyncadd.s32 @!p0 s1  }
0xd7: {  	[bflag:$0x3] =	sbarrier.arrive $0xFFFF  }
0xd8: {  	_ =	shalt  }

</sc_bundles>
